<compile_context>
chip_gen: v7x
topology: tpu7x:2x2x1
jax: 0.10.2.dev20260603
libtpu: 0.0.44.dev20260713+nightly
codegen_flags: <defaults>
</compile_context>

<pallas_src>
import functools

import jax
import jax.numpy as jnp
from jax import lax
from jax.experimental import pallas as pl
from jax.experimental.pallas import tpu as pltpu
from jax.experimental.pallas import tpu_sc as plsc

NUM_UNIQUE = 1000000
EMBED_DIM = 64
BATCH = 16384

_NC = 2
_NS = 16
_NW = _NC * _NS
_B_PER_W = BATCH // _NW
_CHUNK = 128
_NCHUNK = _B_PER_W // _CHUNK


def _make_gather():
    mesh = plsc.VectorSubcoreMesh(core_axis_name="c", subcore_axis_name="s")

    @functools.partial(
        pl.kernel,
        mesh=mesh,
        out_type=jax.ShapeDtypeStruct((BATCH, EMBED_DIM), jnp.float32),
        scratch_types=[
            pltpu.VMEM((4, 128), jnp.int32),
            pltpu.VMEM((_B_PER_W // 8, 8, EMBED_DIM), jnp.float32),
            pltpu.SemaphoreType.DMA,
            pltpu.SemaphoreType.DMA,
            pltpu.SemaphoreType.DMA,
            pltpu.SemaphoreType.DMA,
        ],
        compiler_params=pltpu.CompilerParams(disable_bounds_checks=True),
    )
    def k(table_hbm, idx_hbm, out_hbm, idx_v, rows_v, s0, s1, s2, s3):
        wid = lax.axis_index("s") * _NC + lax.axis_index("c")
        sems = (s0, s1, s2, s3)
        pltpu.sync_copy(idx_hbm.at[wid], idx_v)

        def fire(g, carry):
            tv = idx_v[g >> 3, pl.ds((g & 7) * 16, 16)]
            for l in range(16):
                pltpu.async_copy(
                    table_hbm.at[tv[l]],
                    rows_v.at[2 * g + (l // 8), l & 7],
                    sems[l % 4],
                )
            return carry

        plsc.parallel_loop(0, _B_PER_W // 16, unroll=4)(
            lambda g: fire(g, 0)
        )

        for q in range(4):
            pltpu.make_async_copy(
                table_hbm.at[pl.ds(0, _B_PER_W // 32), :],
                rows_v.at[pl.ds(0, _B_PER_W // 32)],
                sems[q],
            ).wait()

        out3 = out_hbm.reshape(BATCH // 8, 8, EMBED_DIM)
        pltpu.sync_copy(rows_v, out3.at[pl.ds(wid * (_B_PER_W // 8),
                                              _B_PER_W // 8)])

    return k


_gather = _make_gather()


def kernel(x, table):
    idx3 = x.astype(jnp.int32).reshape(_NW, _NCHUNK, _CHUNK)
    return _gather(table, idx3)

# --- scband reference (transcript-rebuilt; emitter-appended) ---
"""Pipeline reference for scband-embedding-bnlayer-13580686590273 (READ-ONLY COPY).

The authoritative reference and input builder live on the scoring server;
editing this copy changes nothing except your own understanding.
"""

import jax, jax.numpy as jnp
import numpy as np

NUM_UNIQUE = 1000000
EMBED_DIM = 64
BATCH = 16384

def setup_inputs(seed: int = 0) -> dict:
    key = jax.random.key(seed)
    k_idx, k_tab = jax.random.split(key)
    x = jax.random.randint(k_idx, (BATCH,), 0, NUM_UNIQUE, dtype=jnp.int64 if jax.config.jax_enable_x64 else jnp.int32)
    # embedding table, nn.Embedding default init: N(0, 1)
    table = jax.random.normal(k_tab, (NUM_UNIQUE, EMBED_DIM), dtype=jnp.float32)
    return {"x": x, "table": table}

def reference(x, table):
    # EmbeddingBNLayer.forward: embedding lookup followed by Identity BN
    out = jnp.take(table, x, axis=0)
    # self._bn is nn.Identity() (early return in _get_bn)
    return out

if __name__ == "__main__":
    import jax
    _d = setup_inputs()
    print(jax.jit(kernel)(*tuple(_d.values())))

</pallas_src>

<mosaic_0001>
#map = affine_map<(d0, d1) -> (0, 0)>
#map1 = affine_map<(d0, d1) -> (0, 0, 0)>
module attributes {stable_mosaic.version = 14 : i64} {
  func.func @k(%arg0: i32, %arg1: i32, %arg2: memref<1000000x64xf32, #tpu.memory_space<hbm>>, %arg3: memref<32x4x128xi32, #tpu.memory_space<hbm>>, %arg4: memref<16384x64xf32, #tpu.memory_space<hbm>>, %arg5: memref<4x128xi32, #tpu.memory_space<vmem>>, %arg6: memref<64x8x64xf32, #tpu.memory_space<vmem>>, %arg7: memref<!tpu.dma_semaphore, #tpu.memory_space<semaphore_mem>>, %arg8: memref<!tpu.dma_semaphore, #tpu.memory_space<semaphore_mem>>, %arg9: memref<!tpu.dma_semaphore, #tpu.memory_space<semaphore_mem>>, %arg10: memref<!tpu.dma_semaphore, #tpu.memory_space<semaphore_mem>>) attributes {dimension_semantics = [#tpu.dimension_semantics<core_parallel>, #tpu.dimension_semantics<subcore_parallel>], iteration_bounds = array<i64: 2, 16>, scalar_prefetch = 0 : i64, scratch_operands = 6 : i64, tpu.core_type = #tpu.core_type<sc_vector_subcore>, window_params = [{transform_indices = #map}, {transform_indices = #map1}, {transform_indices = #map}]} {
    %mul3A = arith.constant 2 : i32
    %mul3A_0 = arith.muli %arg1, %mul3A : i32
    %add3A = arith.addi %mul3A_0, %arg0 : i32
    "tpu.region"() ({
      %run_scoped3A = tpu.sem_alloc : memref<!tpu.dma_semaphore, #tpu.memory_space<semaphore_mem>>
      %dma_start3A = arith.constant 0 : i32
      %dma_start3A_60 = arith.constant 0 : i32
      %dma_start3A_61 = tpu.memref_slice %arg3[%add3A, %dma_start3A, %dma_start3A_60] : memref<32x4x128xi32, #tpu.memory_space<hbm>> -> memref<1x4x128xi32, #tpu.memory_space<hbm>>
      %dma_start3A_62 = tpu.memref_squeeze %dma_start3A_61 : memref<1x4x128xi32, #tpu.memory_space<hbm>> -> memref<4x128xi32, #tpu.memory_space<hbm>>
      %dma_start3A_63 = arith.constant 0 : i32
      %dma_start3A_64 = arith.constant 0 : i32
      %dma_start3A_65 = tpu.memref_slice %arg3[%add3A, %dma_start3A_63, %dma_start3A_64] : memref<32x4x128xi32, #tpu.memory_space<hbm>> -> memref<1x4x128xi32, #tpu.memory_space<hbm>>
      %dma_start3A_66 = tpu.memref_squeeze %dma_start3A_65 : memref<1x4x128xi32, #tpu.memory_space<hbm>> -> memref<4x128xi32, #tpu.memory_space<hbm>>
      tpu.enqueue_dma source(%dma_start3A_66 : memref<4x128xi32, #tpu.memory_space<hbm>>) target(%arg5 : memref<4x128xi32, #tpu.memory_space<vmem>>) target_semaphore(%run_scoped3A : memref<!tpu.dma_semaphore, #tpu.memory_space<semaphore_mem>>)
      %dma_wait3A_67 = arith.constant 0 : i32
      %dma_wait3A_68 = arith.constant 0 : i32
      %dma_wait3A_69 = tpu.memref_slice %arg3[%add3A, %dma_wait3A_67, %dma_wait3A_68] : memref<32x4x128xi32, #tpu.memory_space<hbm>> -> memref<1x4x128xi32, #tpu.memory_space<hbm>>
      %dma_wait3A_70 = tpu.memref_squeeze %dma_wait3A_69 : memref<1x4x128xi32, #tpu.memory_space<hbm>> -> memref<4x128xi32, #tpu.memory_space<hbm>>
      %dma_wait3A_71 = arith.constant 0 : i32
      %dma_wait3A_72 = arith.constant 0 : i32
      %dma_wait3A_73 = tpu.memref_slice %arg3[%add3A, %dma_wait3A_71, %dma_wait3A_72] : memref<32x4x128xi32, #tpu.memory_space<hbm>> -> memref<1x4x128xi32, #tpu.memory_space<hbm>>
      %dma_wait3A_74 = tpu.memref_squeeze %dma_wait3A_73 : memref<1x4x128xi32, #tpu.memory_space<hbm>> -> memref<4x128xi32, #tpu.memory_space<hbm>>
      tpu.wait_dma2 semaphore(%run_scoped3A : memref<!tpu.dma_semaphore, #tpu.memory_space<semaphore_mem>>) src(%dma_wait3A_74 : memref<4x128xi32, #tpu.memory_space<hbm>>) dst(%arg5 : memref<4x128xi32, #tpu.memory_space<vmem>>)
      tpu.yield
    }) : () -> ()
    %parallel_loop3A = arith.constant 0 : i32
    %parallel_loop3A_1 = arith.constant 32 : i32
    %parallel_loop3A_2 = arith.constant 1 : i32
    scf.for %parallel_loop3A_60 = %parallel_loop3A to %parallel_loop3A_1 step %parallel_loop3A_2  : i32 {
      %parallel_loop3A_61 = arith.constant 3 : i32
      %parallel_loop3A_62 = arith.shrsi %parallel_loop3A_60, %parallel_loop3A_61 : i32
      %parallel_loop3A_63 = arith.constant 7 : i32
      %parallel_loop3A_64 = arith.andi %parallel_loop3A_60, %parallel_loop3A_63 : i32
      %parallel_loop3A_65 = arith.constant 16 : i32
      %parallel_loop3A_66 = arith.muli %parallel_loop3A_64, %parallel_loop3A_65 : i32
      %parallel_loop3A_67 = arith.index_cast %parallel_loop3A_62 : i32 to index
      %parallel_loop3A_68 = arith.index_cast %parallel_loop3A_66 : i32 to index
      %parallel_loop3A_69 = tpu.vector_load %arg5[%parallel_loop3A_67, %parallel_loop3A_68] {strides = array<i32>} : memref<4x128xi32, #tpu.memory_space<vmem>>, vector<1x16xi32>,
      %parallel_loop3A_70 = vector.shape_cast %parallel_loop3A_69 : vector<1x16xi32> to vector<16xi32>
      %parallel_loop3A_71 = vector.extract_strided_slice %parallel_loop3A_70 {offsets = [0], sizes = [1], strides = [1]} : vector<16xi32> to vector<1xi32>
      %parallel_loop3A_72 = vector.extract %parallel_loop3A_71[0] : i32 from vector<1xi32>
      %parallel_loop3A_73 = arith.constant 2 : i32
      %parallel_loop3A_74 = arith.muli %parallel_loop3A_73, %parallel_loop3A_60 : i32
      %parallel_loop3A_75 = arith.constant 0 : i32
      %parallel_loop3A_76 = arith.addi %parallel_loop3A_74, %parallel_loop3A_75 : i32
      %parallel_loop3A_77 = arith.constant 0 : i32
      %parallel_loop3A_78 = arith.constant 0 : i32
      %parallel_loop3A_79 = tpu.memref_slice %arg6[%parallel_loop3A_76, %parallel_loop3A_77, %parallel_loop3A_78] : memref<64x8x64xf32, #tpu.memory_space<vmem>> -> memref<1x1x64xf32, #tpu.memory_space<vmem>>
      %parallel_loop3A_80 = tpu.memref_squeeze %parallel_loop3A_79 : memref<1x1x64xf32, #tpu.memory_space<vmem>> -> memref<64xf32, #tpu.memory_space<vmem>>
      %parallel_loop3A_81 = arith.constant 0 : i32
      %parallel_loop3A_82 = tpu.memref_slice %arg2[%parallel_loop3A_72, %parallel_loop3A_81] : memref<1000000x64xf32, #tpu.memory_space<hbm>> -> memref<1x64xf32, #tpu.memory_space<hbm>>
      %parallel_loop3A_83 = tpu.memref_squeeze %parallel_loop3A_82 : memref<1x64xf32, #tpu.memory_space<hbm>> -> memref<64xf32, #tpu.memory_space<hbm>>
      %parallel_loop3A_84 = arith.constant 0 : i32
      %parallel_loop3A_85 = tpu.memref_slice %arg6[%parallel_loop3A_76, %parallel_loop3A_77, %parallel_loop3A_84] : memref<64x8x64xf32, #tpu.memory_space<vmem>> -> memref<1x1x64xf32, #tpu.memory_space<vmem>>
      %parallel_loop3A_86 = tpu.memref_squeeze %parallel_loop3A_85 : memref<1x1x64xf32, #tpu.memory_space<vmem>> -> memref<64xf32, #tpu.memory_space<vmem>>
      %parallel_loop3A_87 = arith.constant 0 : i32
      %parallel_loop3A_88 = tpu.memref_slice %arg2[%parallel_loop3A_72, %parallel_loop3A_87] : memref<1000000x64xf32, #tpu.memory_space<hbm>> -> memref<1x64xf32, #tpu.memory_space<hbm>>
      %parallel_loop3A_89 = tpu.memref_squeeze %parallel_loop3A_88 : memref<1x64xf32, #tpu.memory_space<hbm>> -> memref<64xf32, #tpu.memory_space<hbm>>
      tpu.enqueue_dma source(%parallel_loop3A_89 : memref<64xf32, #tpu.memory_space<hbm>>) target(%parallel_loop3A_86 : memref<64xf32, #tpu.memory_space<vmem>>) target_semaphore(%arg7 : memref<!tpu.dma_semaphore, #tpu.memory_space<semaphore_mem>>)
      %parallel_loop3A_90 = vector.extract_strided_slice %parallel_loop3A_70 {offsets = [1], sizes = [1], strides = [1]} : vector<16xi32> to vector<1xi32>
      %parallel_loop3A_91 = vector.extract %parallel_loop3A_90[0] : i32 from vector<1xi32>
      %parallel_loop3A_92 = arith.constant 2 : i32
      %parallel_loop3A_93 = arith.muli %parallel_loop3A_92, %parallel_loop3A_60 : i32
      %parallel_loop3A_94 = arith.constant 0 : i32
      %parallel_loop3A_95 = arith.addi %parallel_loop3A_93, %parallel_loop3A_94 : i32
      %parallel_loop3A_96 = arith.constant 1 : i32
      %parallel_loop3A_97 = arith.constant 0 : i32
      %parallel_loop3A_98 = tpu.memref_slice %arg6[%parallel_loop3A_95, %parallel_loop3A_96, %parallel_loop3A_97] : memref<64x8x64xf32, #tpu.memory_space<vmem>> -> memref<1x1x64xf32, #tpu.memory_space<vmem>>
      %parallel_loop3A_99 = tpu.memref_squeeze %parallel_loop3A_98 : memref<1x1x64xf32, #tpu.memory_space<vmem>> -> memref<64xf32, #tpu.memory_space<vmem>>
      %parallel_loop3A_100 = arith.constant 0 : i32
      %parallel_loop3A_101 = tpu.memref_slice %arg2[%parallel_loop3A_91, %parallel_loop3A_100] : memref<1000000x64xf32, #tpu.memory_space<hbm>> -> memref<1x64xf32, #tpu.memory_space<hbm>>
      %parallel_loop3A_102 = tpu.memref_squeeze %parallel_loop3A_101 : memref<1x64xf32, #tpu.memory_space<hbm>> -> memref<64xf32, #tpu.memory_space<hbm>>
      %parallel_loop3A_103 = arith.constant 0 : i32
      %parallel_loop3A_104 = tpu.memref_slice %arg6[%parallel_loop3A_95, %parallel_loop3A_96, %parallel_loop3A_103] : memref<64x8x64xf32, #tpu.memory_space<vmem>> -> memref<1x1x64xf32, #tpu.memory_space<vmem>>
      %parallel_loop3A_105 = tpu.memref_squeeze %parallel_loop3A_104 : memref<1x1x64xf32, #tpu.memory_space<vmem>> -> memref<64xf32, #tpu.memory_space<vmem>>
      %parallel_loop3A_106 = arith.constant 0 : i32
      %parallel_loop3A_107 = tpu.memref_slice %arg2[%parallel_loop3A_91, %parallel_loop3A_106] : memref<1000000x64xf32, #tpu.memory_space<hbm>> -> memref<1x64xf32, #tpu.memory_space<hbm>>
      %parallel_loop3A_108 = tpu.memref_squeeze %parallel_loop3A_107 : memref<1x64xf32, #tpu.memory_space<hbm>> -> memref<64xf32, #tpu.memory_space<hbm>>
      tpu.enqueue_dma source(%parallel_loop3A_108 : memref<64xf32, #tpu.memory_space<hbm>>) target(%parallel_loop3A_105 : memref<64xf32, #tpu.memory_space<vmem>>) target_semaphore(%arg8 : memref<!tpu.dma_semaphore, #tpu.memory_space<semaphore_mem>>)
      %parallel_loop3A_109 = vector.extract_strided_slice %parallel_loop3A_70 {offsets = [2], sizes = [1], strides = [1]} : vector<16xi32> to vector<1xi32>
      %parallel_loop3A_110 = vector.extract %parallel_loop3A_109[0] : i32 from vector<1xi32>
      %parallel_loop3A_111 = arith.constant 2 : i32
      %parallel_loop3A_112 = arith.muli %parallel_loop3A_111, %parallel_loop3A_60 : i32
      %parallel_loop3A_113 = arith.constant 0 : i32
      %parallel_loop3A_114 = arith.addi %parallel_loop3A_112, %parallel_loop3A_113 : i32
      %parallel_loop3A_115 = arith.constant 2 : i32
      %parallel_loop3A_116 = arith.constant 0 : i32
      %parallel_loop3A_117 = tpu.memref_slice %arg6[%parallel_loop3A_114, %parallel_loop3A_115, %parallel_loop3A_116] : memref<64x8x64xf32, #tpu.memory_space<vmem>> -> memref<1x1x64xf32, #tpu.memory_space<vmem>>
      %parallel_loop3A_118 = tpu.memref_squeeze %parallel_loop3A_117 : memref<1x1x64xf32, #tpu.memory_space<vmem>> -> memref<64xf32, #tpu.memory_space<vmem>>
      %parallel_loop3A_119 = arith.constant 0 : i32
      %parallel_loop3A_120 = tpu.memref_slice %arg2[%parallel_loop3A_110, %parallel_loop3A_119] : memref<1000000x64xf32, #tpu.memory_space<hbm>> -> memref<1x64xf32, #tpu.memory_space<hbm>>
      %parallel_loop3A_121 = tpu.memref_squeeze %parallel_loop3A_120 : memref<1x64xf32, #tpu.memory_space<hbm>> -> memref<64xf32, #tpu.memory_space<hbm>>
      %parallel_loop3A_122 = arith.constant 0 : i32
      %parallel_loop3A_123 = tpu.memref_slice %arg6[%parallel_loop3A_114, %parallel_loop3A_115, %parallel_loop3A_122] : memref<64x8x64xf32, #tpu.memory_space<vmem>> -> memref<1x1x64xf32, #tpu.memory_space<vmem>>
      %parallel_loop3A_124 = tpu.memref_squeeze %parallel_loop3A_123 : memref<1x1x64xf32, #tpu.memory_space<vmem>> -> memref<64xf32, #tpu.memory_space<vmem>>
      %parallel_loop3A_125 = arith.constant 0 : i32
      %parallel_loop3A_126 = tpu.memref_slice %arg2[%parallel_loop3A_110, %parallel_loop3A_125] : memref<1000000x64xf32, #tpu.memory_space<hbm>> -> memref<1x64xf32, #tpu.memory_space<hbm>>
      %parallel_loop3A_127 = tpu.memref_squeeze %parallel_loop3A_126 : memref<1x64xf32, #tpu.memory_space<hbm>> -> memref<64xf32, #tpu.memory_space<hbm>>
      tpu.enqueue_dma source(%parallel_loop3A_127 : memref<64xf32, #tpu.memory_space<hbm>>) target(%parallel_loop3A_124 : memref<64xf32, #tpu.memory_space<vmem>>) target_semaphore(%arg9 : memref<!tpu.dma_semaphore, #tpu.memory_space<semaphore_mem>>)
      %parallel_loop3A_128 = vector.extract_strided_slice %parallel_loop3A_70 {offsets = [3], sizes = [1], strides = [1]} : vector<16xi32> to vector<1xi32>
      %parallel_loop3A_129 = vector.extract %parallel_loop3A_128[0] : i32 from vector<1xi32>
      %parallel_loop3A_130 = arith.constant 2 : i32
      %parallel_loop3A_131 = arith.muli %parallel_loop3A_130, %parallel_loop3A_60 : i32
      %parallel_loop3A_132 = arith.constant 0 : i32
      %parallel_loop3A_133 = arith.addi %parallel_loop3A_131, %parallel_loop3A_132 : i32
      %parallel_loop3A_134 = arith.constant 3 : i32
      %parallel_loop3A_135 = arith.constant 0 : i32
      %parallel_loop3A_136 = tpu.memref_slice %arg6[%parallel_loop3A_133, %parallel_loop3A_134, %parallel_loop3A_135] : memref<64x8x64xf32, #tpu.memory_space<vmem>> -> memref<1x1x64xf32, #tpu.memory_space<vmem>>
      %parallel_loop3A_137 = tpu.memref_squeeze %parallel_loop3A_136 : memref<1x1x64xf32, #tpu.memory_space<vmem>> -> memref<64xf32, #tpu.memory_space<vmem>>
      %parallel_loop3A_138 = arith.constant 0 : i32
      %parallel_loop3A_139 = tpu.memref_slice %arg2[%parallel_loop3A_129, %parallel_loop3A_138] : memref<1000000x64xf32, #tpu.memory_space<hbm>> -> memref<1x64xf32, #tpu.memory_space<hbm>>
      %parallel_loop3A_140 = tpu.memref_squeeze %parallel_loop3A_139 : memref<1x64xf32, #tpu.memory_space<hbm>> -> memref<64xf32, #tpu.memory_space<hbm>>
      %parallel_loop3A_141 = arith.constant 0 : i32
      %parallel_loop3A_142 = tpu.memref_slice %arg6[%parallel_loop3A_133, %parallel_loop3A_134, %parallel_loop3A_141] : memref<64x8x64xf32, #tpu.memory_space<vmem>> -> memref<1x1x64xf32, #tpu.memory_space<vmem>>
      %parallel_loop3A_143 = tpu.memref_squeeze %parallel_loop3A_142 : memref<1x1x64xf32, #tpu.memory_space<vmem>> -> memref<64xf32, #tpu.memory_space<vmem>>
      %parallel_loop3A_144 = arith.constant 0 : i32
      %parallel_loop3A_145 = tpu.memref_slice %arg2[%parallel_loop3A_129, %parallel_loop3A_144] : memref<1000000x64xf32, #tpu.memory_space<hbm>> -> memref<1x64xf32, #tpu.memory_space<hbm>>
      %parallel_loop3A_146 = tpu.memref_squeeze %parallel_loop3A_145 : memref<1x64xf32, #tpu.memory_space<hbm>> -> memref<64xf32, #tpu.memory_space<hbm>>
      tpu.enqueue_dma source(%parallel_loop3A_146 : memref<64xf32, #tpu.memory_space<hbm>>) target(%parallel_loop3A_143 : memref<64xf32, #tpu.memory_space<vmem>>) target_semaphore(%arg10 : memref<!tpu.dma_semaphore, #tpu.memory_space<semaphore_mem>>)
      %parallel_loop3A_147 = vector.extract_strided_slice %parallel_loop3A_70 {offsets = [4], sizes = [1], strides = [1]} : vector<16xi32> to vector<1xi32>
      %parallel_loop3A_148 = vector.extract %parallel_loop3A_147[0] : i32 from vector<1xi32>
      %parallel_loop3A_149 = arith.constant 2 : i32
      %parallel_loop3A_150 = arith.muli %parallel_loop3A_149, %parallel_loop3A_60 : i32
      %parallel_loop3A_151 = arith.constant 0 : i32
      %parallel_loop3A_152 = arith.addi %parallel_loop3A_150, %parallel_loop3A_151 : i32
      %parallel_loop3A_153 = arith.constant 4 : i32
      %parallel_loop3A_154 = arith.constant 0 : i32
      %parallel_loop3A_155 = tpu.memref_slice %arg6[%parallel_loop3A_152, %parallel_loop3A_153, %parallel_loop3A_154] : memref<64x8x64xf32, #tpu.memory_space<vmem>> -> memref<1x1x64xf32, #tpu.memory_space<vmem>>
      %parallel_loop3A_156 = tpu.memref_squeeze %parallel_loop3A_155 : memref<1x1x64xf32, #tpu.memory_space<vmem>> -> memref<64xf32, #tpu.memory_space<vmem>>
      %parallel_loop3A_157 = arith.constant 0 : i32
      %parallel_loop3A_158 = tpu.memref_slice %arg2[%parallel_loop3A_148, %parallel_loop3A_157] : memref<1000000x64xf32, #tpu.memory_space<hbm>> -> memref<1x64xf32, #tpu.memory_space<hbm>>
      %parallel_loop3A_159 = tpu.memref_squeeze %parallel_loop3A_158 : memref<1x64xf32, #tpu.memory_space<hbm>> -> memref<64xf32, #tpu.memory_space<hbm>>
      %parallel_loop3A_160 = arith.constant 0 : i32
      %parallel_loop3A_161 = tpu.memref_slice %arg6[%parallel_loop3A_152, %parallel_loop3A_153, %parallel_loop3A_160] : memref<64x8x64xf32, #tpu.memory_space<vmem>> -> memref<1x1x64xf32, #tpu.memory_space<vmem>>
      %parallel_loop3A_162 = tpu.memref_squeeze %parallel_loop3A_161 : memref<1x1x64xf32, #tpu.memory_space<vmem>> -> memref<64xf32, #tpu.memory_space<vmem>>
      %parallel_loop3A_163 = arith.constant 0 : i32
      %parallel_loop3A_164 = tpu.memref_slice %arg2[%parallel_loop3A_148, %parallel_loop3A_163] : memref<1000000x64xf32, #tpu.memory_space<hbm>> -> memref<1x64xf32, #tpu.memory_space<hbm>>
      %parallel_loop3A_165 = tpu.memref_squeeze %parallel_loop3A_164 : memref<1x64xf32, #tpu.memory_space<hbm>> -> memref<64xf32, #tpu.memory_space<hbm>>
      tpu.enqueue_dma source(%parallel_loop3A_165 : memref<64xf32, #tpu.memory_space<hbm>>) target(%parallel_loop3A_162 : memref<64xf32, #tpu.memory_space<vmem>>) target_semaphore(%arg7 : memref<!tpu.dma_semaphore, #tpu.memory_space<semaphore_mem>>)
      %parallel_loop3A_166 = vector.extract_strided_slice %parallel_loop3A_70 {offsets = [5], sizes = [1], strides = [1]} : vector<16xi32> to vector<1xi32>
      %parallel_loop3A_167 = vector.extract %parallel_loop3A_166[0] : i32 from vector<1xi32>
      %parallel_loop3A_168 = arith.constant 2 : i32
      %parallel_loop3A_169 = arith.muli %parallel_loop3A_168, %parallel_loop3A_60 : i32
      %parallel_loop3A_170 = arith.constant 0 : i32
      %parallel_loop3A_171 = arith.addi %parallel_loop3A_169, %parallel_loop3A_170 : i32
      %parallel_loop3A_172 = arith.constant 5 : i32
      %parallel_loop3A_173 = arith.constant 0 : i32
      %parallel_loop3A_174 = tpu.memref_slice %arg6[%parallel_loop3A_171, %parallel_loop3A_172, %parallel_loop3A_173] : memref<64x8x64xf32, #tpu.memory_space<vmem>> -> memref<1x1x64xf32, #tpu.memory_space<vmem>>
      %parallel_loop3A_175 = tpu.memref_squeeze %parallel_loop3A_174 : memref<1x1x64xf32, #tpu.memory_space<vmem>> -> memref<64xf32, #tpu.memory_space<vmem>>
      %parallel_loop3A_176 = arith.constant 0 : i32
      %parallel_loop3A_177 = tpu.memref_slice %arg2[%parallel_loop3A_167, %parallel_loop3A_176] : memref<1000000x64xf32, #tpu.memory_space<hbm>> -> memref<1x64xf32, #tpu.memory_space<hbm>>
      %parallel_loop3A_178 = tpu.memref_squeeze %parallel_loop3A_177 : memref<1x64xf32, #tpu.memory_space<hbm>> -> memref<64xf32, #tpu.memory_space<hbm>>
      %parallel_loop3A_179 = arith.constant 0 : i32
      %parallel_loop3A_180 = tpu.memref_slice %arg6[%parallel_loop3A_171, %parallel_loop3A_172, %parallel_loop3A_179] : memref<64x8x64xf32, #tpu.memory_space<vmem>> -> memref<1x1x64xf32, #tpu.memory_space<vmem>>
      %parallel_loop3A_181 = tpu.memref_squeeze %parallel_loop3A_180 : memref<1x1x64xf32, #tpu.memory_space<vmem>> -> memref<64xf32, #tpu.memory_space<vmem>>
      %parallel_loop3A_182 = arith.constant 0 : i32
      %parallel_loop3A_183 = tpu.memref_slice %arg2[%parallel_loop3A_167, %parallel_loop3A_182] : memref<1000000x64xf32, #tpu.memory_space<hbm>> -> memref<1x64xf32, #tpu.memory_space<hbm>>
      %parallel_loop3A_184 = tpu.memref_squeeze %parallel_loop3A_183 : memref<1x64xf32, #tpu.memory_space<hbm>> -> memref<64xf32, #tpu.memory_space<hbm>>
      tpu.enqueue_dma source(%parallel_loop3A_184 : memref<64xf32, #tpu.memory_space<hbm>>) target(%parallel_loop3A_181 : memref<64xf32, #tpu.memory_space<vmem>>) target_semaphore(%arg8 : memref<!tpu.dma_semaphore, #tpu.memory_space<semaphore_mem>>)
      %parallel_loop3A_185 = vector.extract_strided_slice %parallel_loop3A_70 {offsets = [6], sizes = [1], strides = [1]} : vector<16xi32> to vector<1xi32>
      %parallel_loop3A_186 = vector.extract %parallel_loop3A_185[0] : i32 from vector<1xi32>
      %parallel_loop3A_187 = arith.constant 2 : i32
      %parallel_loop3A_188 = arith.muli %parallel_loop3A_187, %parallel_loop3A_60 : i32
      %parallel_loop3A_189 = arith.constant 0 : i32
      %parallel_loop3A_190 = arith.addi %parallel_loop3A_188, %parallel_loop3A_189 : i32
      %parallel_loop3A_191 = arith.constant 6 : i32
      %parallel_loop3A_192 = arith.constant 0 : i32
      %parallel_loop3A_193 = tpu.memref_slice %arg6[%parallel_loop3A_190, %parallel_loop3A_191, %parallel_loop3A_192] : memref<64x8x64xf32, #tpu.memory_space<vmem>> -> memref<1x1x64xf32, #tpu.memory_space<vmem>>
      %parallel_loop3A_194 = tpu.memref_squeeze %parallel_loop3A_193 : memref<1x1x64xf32, #tpu.memory_space<vmem>> -> memref<64xf32, #tpu.memory_space<vmem>>
      %parallel_loop3A_195 = arith.constant 0 : i32
      %parallel_loop3A_196 = tpu.memref_slice %arg2[%parallel_loop3A_186, %parallel_loop3A_195] : memref<1000000x64xf32, #tpu.memory_space<hbm>> -> memref<1x64xf32, #tpu.memory_space<hbm>>
      %parallel_loop3A_197 = tpu.memref_squeeze %parallel_loop3A_196 : memref<1x64xf32, #tpu.memory_space<hbm>> -> memref<64xf32, #tpu.memory_space<hbm>>
      %parallel_loop3A_198 = arith.constant 0 : i32
      %parallel_loop3A_199 = tpu.memref_slice %arg6[%parallel_loop3A_190, %parallel_loop3A_191, %parallel_loop3A_198] : memref<64x8x64xf32, #tpu.memory_space<vmem>> -> memref<1x1x64xf32, #tpu.memory_space<vmem>>
      %parallel_loop3A_200 = tpu.memref_squeeze %parallel_loop3A_199 : memref<1x1x64xf32, #tpu.memory_space<vmem>> -> memref<64xf32, #tpu.memory_space<vmem>>
      %parallel_loop3A_201 = arith.constant 0 : i32
      %parallel_loop3A_202 = tpu.memref_slice %arg2[%parallel_loop3A_186, %parallel_loop3A_201] : memref<1000000x64xf32, #tpu.memory_space<hbm>> -> memref<1x64xf32, #tpu.memory_space<hbm>>
      %parallel_loop3A_203 = tpu.memref_squeeze %parallel_loop3A_202 : memref<1x64xf32, #tpu.memory_space<hbm>> -> memref<64xf32, #tpu.memory_space<hbm>>
      tpu.enqueue_dma source(%parallel_loop3A_203 : memref<64xf32, #tpu.memory_space<hbm>>) target(%parallel_loop3A_200 : memref<64xf32, #tpu.memory_space<vmem>>) target_semaphore(%arg9 : memref<!tpu.dma_semaphore, #tpu.memory_space<semaphore_mem>>)
      %parallel_loop3A_204 = vector.extract_strided_slice %parallel_loop3A_70 {offsets = [7], sizes = [1], strides = [1]} : vector<16xi32> to vector<1xi32>
      %parallel_loop3A_205 = vector.extract %parallel_loop3A_204[0] : i32 from vector<1xi32>
      %parallel_loop3A_206 = arith.constant 2 : i32
      %parallel_loop3A_207 = arith.muli %parallel_loop3A_206, %parallel_loop3A_60 : i32
      %parallel_loop3A_208 = arith.constant 0 : i32
      %parallel_loop3A_209 = arith.addi %parallel_loop3A_207, %parallel_loop3A_208 : i32
      %parallel_loop3A_210 = arith.constant 7 : i32
      %parallel_loop3A_211 = arith.constant 0 : i32
      %parallel_loop3A_212 = tpu.memref_slice %arg6[%parallel_loop3A_209, %parallel_loop3A_210, %parallel_loop3A_211] : memref<64x8x64xf32, #tpu.memory_space<vmem>> -> memref<1x1x64xf32, #tpu.memory_space<vmem>>
      %parallel_loop3A_213 = tpu.memref_squeeze %parallel_loop3A_212 : memref<1x1x64xf32, #tpu.memory_space<vmem>> -> memref<64xf32, #tpu.memory_space<vmem>>
      %parallel_loop3A_214 = arith.constant 0 : i32
      %parallel_loop3A_215 = tpu.memref_slice %arg2[%parallel_loop3A_205, %parallel_loop3A_214] : memref<1000000x64xf32, #tpu.memory_space<hbm>> -> memref<1x64xf32, #tpu.memory_space<hbm>>
      %parallel_loop3A_216 = tpu.memref_squeeze %parallel_loop3A_215 : memref<1x64xf32, #tpu.memory_space<hbm>> -> memref<64xf32, #tpu.memory_space<hbm>>
      %parallel_loop3A_217 = arith.constant 0 : i32
      %parallel_loop3A_218 = tpu.memref_slice %arg6[%parallel_loop3A_209, %parallel_loop3A_210, %parallel_loop3A_217] : memref<64x8x64xf32, #tpu.memory_space<vmem>> -> memref<1x1x64xf32, #tpu.memory_space<vmem>>
      %parallel_loop3A_219 = tpu.memref_squeeze %parallel_loop3A_218 : memref<1x1x64xf32, #tpu.memory_space<vmem>> -> memref<64xf32, #tpu.memory_space<vmem>>
      %parallel_loop3A_220 = arith.constant 0 : i32
      %parallel_loop3A_221 = tpu.memref_slice %arg2[%parallel_loop3A_205, %parallel_loop3A_220] : memref<1000000x64xf32, #tpu.memory_space<hbm>> -> memref<1x64xf32, #tpu.memory_space<hbm>>
      %parallel_loop3A_222 = tpu.memref_squeeze %parallel_loop3A_221 : memref<1x64xf32, #tpu.memory_space<hbm>> -> memref<64xf32, #tpu.memory_space<hbm>>
      tpu.enqueue_dma source(%parallel_loop3A_222 : memref<64xf32, #tpu.memory_space<hbm>>) target(%parallel_loop3A_219 : memref<64xf32, #tpu.memory_space<vmem>>) target_semaphore(%arg10 : memref<!tpu.dma_semaphore, #tpu.memory_space<semaphore_mem>>)
      %parallel_loop3A_223 = vector.extract_strided_slice %parallel_loop3A_70 {offsets = [8], sizes = [1], strides = [1]} : vector<16xi32> to vector<1xi32>
      %parallel_loop3A_224 = vector.extract %parallel_loop3A_223[0] : i32 from vector<1xi32>
      %parallel_loop3A_225 = arith.constant 2 : i32
      %parallel_loop3A_226 = arith.muli %parallel_loop3A_225, %parallel_loop3A_60 : i32
      %parallel_loop3A_227 = arith.constant 1 : i32
      %parallel_loop3A_228 = arith.addi %parallel_loop3A_226, %parallel_loop3A_227 : i32
      %parallel_loop3A_229 = arith.constant 0 : i32
      %parallel_loop3A_230 = arith.constant 0 : i32
      %parallel_loop3A_231 = tpu.memref_slice %arg6[%parallel_loop3A_228, %parallel_loop3A_229, %parallel_loop3A_230] : memref<64x8x64xf32, #tpu.memory_space<vmem>> -> memref<1x1x64xf32, #tpu.memory_space<vmem>>
      %parallel_loop3A_232 = tpu.memref_squeeze %parallel_loop3A_231 : memref<1x1x64xf32, #tpu.memory_space<vmem>> -> memref<64xf32, #tpu.memory_space<vmem>>
      %parallel_loop3A_233 = arith.constant 0 : i32
      %parallel_loop3A_234 = tpu.memref_slice %arg2[%parallel_loop3A_224, %parallel_loop3A_233] : memref<1000000x64xf32, #tpu.memory_space<hbm>> -> memref<1x64xf32, #tpu.memory_space<hbm>>
      %parallel_loop3A_235 = tpu.memref_squeeze %parallel_loop3A_234 : memref<1x64xf32, #tpu.memory_space<hbm>> -> memref<64xf32, #tpu.memory_space<hbm>>
      %parallel_loop3A_236 = arith.constant 0 : i32
      %parallel_loop3A_237 = tpu.memref_slice %arg6[%parallel_loop3A_228, %parallel_loop3A_229, %parallel_loop3A_236] : memref<64x8x64xf32, #tpu.memory_space<vmem>> -> memref<1x1x64xf32, #tpu.memory_space<vmem>>
      %parallel_loop3A_238 = tpu.memref_squeeze %parallel_loop3A_237 : memref<1x1x64xf32, #tpu.memory_space<vmem>> -> memref<64xf32, #tpu.memory_space<vmem>>
      %parallel_loop3A_239 = arith.constant 0 : i32
      %parallel_loop3A_240 = tpu.memref_slice %arg2[%parallel_loop3A_224, %parallel_loop3A_239] : memref<1000000x64xf32, #tpu.memory_space<hbm>> -> memref<1x64xf32, #tpu.memory_space<hbm>>
      %parallel_loop3A_241 = tpu.memref_squeeze %parallel_loop3A_240 : memref<1x64xf32, #tpu.memory_space<hbm>> -> memref<64xf32, #tpu.memory_space<hbm>>
      tpu.enqueue_dma source(%parallel_loop3A_241 : memref<64xf32, #tpu.memory_space<hbm>>) target(%parallel_loop3A_238 : memref<64xf32, #tpu.memory_space<vmem>>) target_semaphore(%arg7 : memref<!tpu.dma_semaphore, #tpu.memory_space<semaphore_mem>>)
      %parallel_loop3A_242 = vector.extract_strided_slice %parallel_loop3A_70 {offsets = [9], sizes = [1], strides = [1]} : vector<16xi32> to vector<1xi32>
      %parallel_loop3A_243 = vector.extract %parallel_loop3A_242[0] : i32 from vector<1xi32>
      %parallel_loop3A_244 = arith.constant 2 : i32
      %parallel_loop3A_245 = arith.muli %parallel_loop3A_244, %parallel_loop3A_60 : i32
      %parallel_loop3A_246 = arith.constant 1 : i32
      %parallel_loop3A_247 = arith.addi %parallel_loop3A_245, %parallel_loop3A_246 : i32
      %parallel_loop3A_248 = arith.constant 1 : i32
      %parallel_loop3A_249 = arith.constant 0 : i32
      %parallel_loop3A_250 = tpu.memref_slice %arg6[%parallel_loop3A_247, %parallel_loop3A_248, %parallel_loop3A_249] : memref<64x8x64xf32, #tpu.memory_space<vmem>> -> memref<1x1x64xf32, #tpu.memory_space<vmem>>
      %parallel_loop3A_251 = tpu.memref_squeeze %parallel_loop3A_250 : memref<1x1x64xf32, #tpu.memory_space<vmem>> -> memref<64xf32, #tpu.memory_space<vmem>>
      %parallel_loop3A_252 = arith.constant 0 : i32
      %parallel_loop3A_253 = tpu.memref_slice %arg2[%parallel_loop3A_243, %parallel_loop3A_252] : memref<1000000x64xf32, #tpu.memory_space<hbm>> -> memref<1x64xf32, #tpu.memory_space<hbm>>
      %parallel_loop3A_254 = tpu.memref_squeeze %parallel_loop3A_253 : memref<1x64xf32, #tpu.memory_space<hbm>> -> memref<64xf32, #tpu.memory_space<hbm>>
      %parallel_loop3A_255 = arith.constant 0 : i32
      %parallel_loop3A_256 = tpu.memref_slice %arg6[%parallel_loop3A_247, %parallel_loop3A_248, %parallel_loop3A_255] : memref<64x8x64xf32, #tpu.memory_space<vmem>> -> memref<1x1x64xf32, #tpu.memory_space<vmem>>
      %parallel_loop3A_257 = tpu.memref_squeeze %parallel_loop3A_256 : memref<1x1x64xf32, #tpu.memory_space<vmem>> -> memref<64xf32, #tpu.memory_space<vmem>>
      %parallel_loop3A_258 = arith.constant 0 : i32
      %parallel_loop3A_259 = tpu.memref_slice %arg2[%parallel_loop3A_243, %parallel_loop3A_258] : memref<1000000x64xf32, #tpu.memory_space<hbm>> -> memref<1x64xf32, #tpu.memory_space<hbm>>
      %parallel_loop3A_260 = tpu.memref_squeeze %parallel_loop3A_259 : memref<1x64xf32, #tpu.memory_space<hbm>> -> memref<64xf32, #tpu.memory_space<hbm>>
      tpu.enqueue_dma source(%parallel_loop3A_260 : memref<64xf32, #tpu.memory_space<hbm>>) target(%parallel_loop3A_257 : memref<64xf32, #tpu.memory_space<vmem>>) target_semaphore(%arg8 : memref<!tpu.dma_semaphore, #tpu.memory_space<semaphore_mem>>)
      %parallel_loop3A_261 = vector.extract_strided_slice %parallel_loop3A_70 {offsets = [10], sizes = [1], strides = [1]} : vector<16xi32> to vector<1xi32>
      %parallel_loop3A_262 = vector.extract %parallel_loop3A_261[0] : i32 from vector<1xi32>
      %parallel_loop3A_263 = arith.constant 2 : i32
      %parallel_loop3A_264 = arith.muli %parallel_loop3A_263, %parallel_loop3A_60 : i32
      %parallel_loop3A_265 = arith.constant 1 : i32
      %parallel_loop3A_266 = arith.addi %parallel_loop3A_264, %parallel_loop3A_265 : i32
      %parallel_loop3A_267 = arith.constant 2 : i32
      %parallel_loop3A_268 = arith.constant 0 : i32
      %parallel_loop3A_269 = tpu.memref_slice %arg6[%parallel_loop3A_266, %parallel_loop3A_267, %parallel_loop3A_268] : memref<64x8x64xf32, #tpu.memory_space<vmem>> -> memref<1x1x64xf32, #tpu.memory_space<vmem>>
      %parallel_loop3A_270 = tpu.memref_squeeze %parallel_loop3A_269 : memref<1x1x64xf32, #tpu.memory_space<vmem>> -> memref<64xf32, #tpu.memory_space<vmem>>
      %parallel_loop3A_271 = arith.constant 0 : i32
      %parallel_loop3A_272 = tpu.memref_slice %arg2[%parallel_loop3A_262, %parallel_loop3A_271] : memref<1000000x64xf32, #tpu.memory_space<hbm>> -> memref<1x64xf32, #tpu.memory_space<hbm>>
      %parallel_loop3A_273 = tpu.memref_squeeze %parallel_loop3A_272 : memref<1x64xf32, #tpu.memory_space<hbm>> -> memref<64xf32, #tpu.memory_space<hbm>>
      %parallel_loop3A_274 = arith.constant 0 : i32
      %parallel_loop3A_275 = tpu.memref_slice %arg6[%parallel_loop3A_266, %parallel_loop3A_267, %parallel_loop3A_274] : memref<64x8x64xf32, #tpu.memory_space<vmem>> -> memref<1x1x64xf32, #tpu.memory_space<vmem>>
      %parallel_loop3A_276 = tpu.memref_squeeze %parallel_loop3A_275 : memref<1x1x64xf32, #tpu.memory_space<vmem>> -> memref<64xf32, #tpu.memory_space<vmem>>
      %parallel_loop3A_277 = arith.constant 0 : i32
      %parallel_loop3A_278 = tpu.memref_slice %arg2[%parallel_loop3A_262, %parallel_loop3A_277] : memref<1000000x64xf32, #tpu.memory_space<hbm>> -> memref<1x64xf32, #tpu.memory_space<hbm>>
      %parallel_loop3A_279 = tpu.memref_squeeze %parallel_loop3A_278 : memref<1x64xf32, #tpu.memory_space<hbm>> -> memref<64xf32, #tpu.memory_space<hbm>>
      tpu.enqueue_dma source(%parallel_loop3A_279 : memref<64xf32, #tpu.memory_space<hbm>>) target(%parallel_loop3A_276 : memref<64xf32, #tpu.memory_space<vmem>>) target_semaphore(%arg9 : memref<!tpu.dma_semaphore, #tpu.memory_space<semaphore_mem>>)
      %parallel_loop3A_280 = vector.extract_strided_slice %parallel_loop3A_70 {offsets = [11], sizes = [1], strides = [1]} : vector<16xi32> to vector<1xi32>
      %parallel_loop3A_281 = vector.extract %parallel_loop3A_280[0] : i32 from vector<1xi32>
      %parallel_loop3A_282 = arith.constant 2 : i32
      %parallel_loop3A_283 = arith.muli %parallel_loop3A_282, %parallel_loop3A_60 : i32
      %parallel_loop3A_284 = arith.constant 1 : i32
      %parallel_loop3A_285 = arith.addi %parallel_loop3A_283, %parallel_loop3A_284 : i32
      %parallel_loop3A_286 = arith.constant 3 : i32
      %parallel_loop3A_287 = arith.constant 0 : i32
      %parallel_loop3A_288 = tpu.memref_slice %arg6[%parallel_loop3A_285, %parallel_loop3A_286, %parallel_loop3A_287] : memref<64x8x64xf32, #tpu.memory_space<vmem>> -> memref<1x1x64xf32, #tpu.memory_space<vmem>>
      %parallel_loop3A_289 = tpu.memref_squeeze %parallel_loop3A_288 : memref<1x1x64xf32, #tpu.memory_space<vmem>> -> memref<64xf32, #tpu.memory_space<vmem>>
      %parallel_loop3A_290 = arith.constant 0 : i32
      %parallel_loop3A_291 = tpu.memref_slice %arg2[%parallel_loop3A_281, %parallel_loop3A_290] : memref<1000000x64xf32, #tpu.memory_space<hbm>> -> memref<1x64xf32, #tpu.memory_space<hbm>>
      %parallel_loop3A_292 = tpu.memref_squeeze %parallel_loop3A_291 : memref<1x64xf32, #tpu.memory_space<hbm>> -> memref<64xf32, #tpu.memory_space<hbm>>
      %parallel_loop3A_293 = arith.constant 0 : i32
      %parallel_loop3A_294 = tpu.memref_slice %arg6[%parallel_loop3A_285, %parallel_loop3A_286, %parallel_loop3A_293] : memref<64x8x64xf32, #tpu.memory_space<vmem>> -> memref<1x1x64xf32, #tpu.memory_space<vmem>>
      %parallel_loop3A_295 = tpu.memref_squeeze %parallel_loop3A_294 : memref<1x1x64xf32, #tpu.memory_space<vmem>> -> memref<64xf32, #tpu.memory_space<vmem>>
      %parallel_loop3A_296 = arith.constant 0 : i32
      %parallel_loop3A_297 = tpu.memref_slice %arg2[%parallel_loop3A_281, %parallel_loop3A_296] : memref<1000000x64xf32, #tpu.memory_space<hbm>> -> memref<1x64xf32, #tpu.memory_space<hbm>>
      %parallel_loop3A_298 = tpu.memref_squeeze %parallel_loop3A_297 : memref<1x64xf32, #tpu.memory_space<hbm>> -> memref<64xf32, #tpu.memory_space<hbm>>
      tpu.enqueue_dma source(%parallel_loop3A_298 : memref<64xf32, #tpu.memory_space<hbm>>) target(%parallel_loop3A_295 : memref<64xf32, #tpu.memory_space<vmem>>) target_semaphore(%arg10 : memref<!tpu.dma_semaphore, #tpu.memory_space<semaphore_mem>>)
      %parallel_loop3A_299 = vector.extract_strided_slice %parallel_loop3A_70 {offsets = [12], sizes = [1], strides = [1]} : vector<16xi32> to vector<1xi32>
      %parallel_loop3A_300 = vector.extract %parallel_loop3A_299[0] : i32 from vector<1xi32>
      %parallel_loop3A_301 = arith.constant 2 : i32
      %parallel_loop3A_302 = arith.muli %parallel_loop3A_301, %parallel_loop3A_60 : i32
      %parallel_loop3A_303 = arith.constant 1 : i32
      %parallel_loop3A_304 = arith.addi %parallel_loop3A_302, %parallel_loop3A_303 : i32
      %parallel_loop3A_305 = arith.constant 4 : i32
      %parallel_loop3A_306 = arith.constant 0 : i32
      %parallel_loop3A_307 = tpu.memref_slice %arg6[%parallel_loop3A_304, %parallel_loop3A_305, %parallel_loop3A_306] : memref<64x8x64xf32, #tpu.memory_space<vmem>> -> memref<1x1x64xf32, #tpu.memory_space<vmem>>
      %parallel_loop3A_308 = tpu.memref_squeeze %parallel_loop3A_307 : memref<1x1x64xf32, #tpu.memory_space<vmem>> -> memref<64xf32, #tpu.memory_space<vmem>>
      %parallel_loop3A_309 = arith.constant 0 : i32
      %parallel_loop3A_310 = tpu.memref_slice %arg2[%parallel_loop3A_300, %parallel_loop3A_309] : memref<1000000x64xf32, #tpu.memory_space<hbm>> -> memref<1x64xf32, #tpu.memory_space<hbm>>
      %parallel_loop3A_311 = tpu.memref_squeeze %parallel_loop3A_310 : memref<1x64xf32, #tpu.memory_space<hbm>> -> memref<64xf32, #tpu.memory_space<hbm>>
      %parallel_loop3A_312 = arith.constant 0 : i32
      %parallel_loop3A_313 = tpu.memref_slice %arg6[%parallel_loop3A_304, %parallel_loop3A_305, %parallel_loop3A_312] : memref<64x8x64xf32, #tpu.memory_space<vmem>> -> memref<1x1x64xf32, #tpu.memory_space<vmem>>
      %parallel_loop3A_314 = tpu.memref_squeeze %parallel_loop3A_313 : memref<1x1x64xf32, #tpu.memory_space<vmem>> -> memref<64xf32, #tpu.memory_space<vmem>>
      %parallel_loop3A_315 = arith.constant 0 : i32
      %parallel_loop3A_316 = tpu.memref_slice %arg2[%parallel_loop3A_300, %parallel_loop3A_315] : memref<1000000x64xf32, #tpu.memory_space<hbm>> -> memref<1x64xf32, #tpu.memory_space<hbm>>
      %parallel_loop3A_317 = tpu.memref_squeeze %parallel_loop3A_316 : memref<1x64xf32, #tpu.memory_space<hbm>> -> memref<64xf32, #tpu.memory_space<hbm>>
      tpu.enqueue_dma source(%parallel_loop3A_317 : memref<64xf32, #tpu.memory_space<hbm>>) target(%parallel_loop3A_314 : memref<64xf32, #tpu.memory_space<vmem>>) target_semaphore(%arg7 : memref<!tpu.dma_semaphore, #tpu.memory_space<semaphore_mem>>)
      %parallel_loop3A_318 = vector.extract_strided_slice %parallel_loop3A_70 {offsets = [13], sizes = [1], strides = [1]} : vector<16xi32> to vector<1xi32>
      %parallel_loop3A_319 = vector.extract %parallel_loop3A_318[0] : i32 from vector<1xi32>
      %parallel_loop3A_320 = arith.constant 2 : i32
      %parallel_loop3A_321 = arith.muli %parallel_loop3A_320, %parallel_loop3A_60 : i32
      %parallel_loop3A_322 = arith.constant 1 : i32
      %parallel_loop3A_323 = arith.addi %parallel_loop3A_321, %parallel_loop3A_322 : i32
      %parallel_loop3A_324 = arith.constant 5 : i32
      %parallel_loop3A_325 = arith.constant 0 : i32
      %parallel_loop3A_326 = tpu.memref_slice %arg6[%parallel_loop3A_323, %parallel_loop3A_324, %parallel_loop3A_325] : memref<64x8x64xf32, #tpu.memory_space<vmem>> -> memref<1x1x64xf32, #tpu.memory_space<vmem>>
      %parallel_loop3A_327 = tpu.memref_squeeze %parallel_loop3A_326 : memref<1x1x64xf32, #tpu.memory_space<vmem>> -> memref<64xf32, #tpu.memory_space<vmem>>
      %parallel_loop3A_328 = arith.constant 0 : i32
      %parallel_loop3A_329 = tpu.memref_slice %arg2[%parallel_loop3A_319, %parallel_loop3A_328] : memref<1000000x64xf32, #tpu.memory_space<hbm>> -> memref<1x64xf32, #tpu.memory_space<hbm>>
      %parallel_loop3A_330 = tpu.memref_squeeze %parallel_loop3A_329 : memref<1x64xf32, #tpu.memory_space<hbm>> -> memref<64xf32, #tpu.memory_space<hbm>>
      %parallel_loop3A_331 = arith.constant 0 : i32
      %parallel_loop3A_332 = tpu.memref_slice %arg6[%parallel_loop3A_323, %parallel_loop3A_324, %parallel_loop3A_331] : memref<64x8x64xf32, #tpu.memory_space<vmem>> -> memref<1x1x64xf32, #tpu.memory_space<vmem>>
      %parallel_loop3A_333 = tpu.memref_squeeze %parallel_loop3A_332 : memref<1x1x64xf32, #tpu.memory_space<vmem>> -> memref<64xf32, #tpu.memory_space<vmem>>
      %parallel_loop3A_334 = arith.constant 0 : i32
      %parallel_loop3A_335 = tpu.memref_slice %arg2[%parallel_loop3A_319, %parallel_loop3A_334] : memref<1000000x64xf32, #tpu.memory_space<hbm>> -> memref<1x64xf32, #tpu.memory_space<hbm>>
      %parallel_loop3A_336 = tpu.memref_squeeze %parallel_loop3A_335 : memref<1x64xf32, #tpu.memory_space<hbm>> -> memref<64xf32, #tpu.memory_space<hbm>>
      tpu.enqueue_dma source(%parallel_loop3A_336 : memref<64xf32, #tpu.memory_space<hbm>>) target(%parallel_loop3A_333 : memref<64xf32, #tpu.memory_space<vmem>>) target_semaphore(%arg8 : memref<!tpu.dma_semaphore, #tpu.memory_space<semaphore_mem>>)
      %parallel_loop3A_337 = vector.extract_strided_slice %parallel_loop3A_70 {offsets = [14], sizes = [1], strides = [1]} : vector<16xi32> to vector<1xi32>
      %parallel_loop3A_338 = vector.extract %parallel_loop3A_337[0] : i32 from vector<1xi32>
      %parallel_loop3A_339 = arith.constant 2 : i32
      %parallel_loop3A_340 = arith.muli %parallel_loop3A_339, %parallel_loop3A_60 : i32
      %parallel_loop3A_341 = arith.constant 1 : i32
      %parallel_loop3A_342 = arith.addi %parallel_loop3A_340, %parallel_loop3A_341 : i32
      %parallel_loop3A_343 = arith.constant 6 : i32
      %parallel_loop3A_344 = arith.constant 0 : i32
      %parallel_loop3A_345 = tpu.memref_slice %arg6[%parallel_loop3A_342, %parallel_loop3A_343, %parallel_loop3A_344] : memref<64x8x64xf32, #tpu.memory_space<vmem>> -> memref<1x1x64xf32, #tpu.memory_space<vmem>>
      %parallel_loop3A_346 = tpu.memref_squeeze %parallel_loop3A_345 : memref<1x1x64xf32, #tpu.memory_space<vmem>> -> memref<64xf32, #tpu.memory_space<vmem>>
      %parallel_loop3A_347 = arith.constant 0 : i32
      %parallel_loop3A_348 = tpu.memref_slice %arg2[%parallel_loop3A_338, %parallel_loop3A_347] : memref<1000000x64xf32, #tpu.memory_space<hbm>> -> memref<1x64xf32, #tpu.memory_space<hbm>>
      %parallel_loop3A_349 = tpu.memref_squeeze %parallel_loop3A_348 : memref<1x64xf32, #tpu.memory_space<hbm>> -> memref<64xf32, #tpu.memory_space<hbm>>
      %parallel_loop3A_350 = arith.constant 0 : i32
      %parallel_loop3A_351 = tpu.memref_slice %arg6[%parallel_loop3A_342, %parallel_loop3A_343, %parallel_loop3A_350] : memref<64x8x64xf32, #tpu.memory_space<vmem>> -> memref<1x1x64xf32, #tpu.memory_space<vmem>>
      %parallel_loop3A_352 = tpu.memref_squeeze %parallel_loop3A_351 : memref<1x1x64xf32, #tpu.memory_space<vmem>> -> memref<64xf32, #tpu.memory_space<vmem>>
      %parallel_loop3A_353 = arith.constant 0 : i32
      %parallel_loop3A_354 = tpu.memref_slice %arg2[%parallel_loop3A_338, %parallel_loop3A_353] : memref<1000000x64xf32, #tpu.memory_space<hbm>> -> memref<1x64xf32, #tpu.memory_space<hbm>>
      %parallel_loop3A_355 = tpu.memref_squeeze %parallel_loop3A_354 : memref<1x64xf32, #tpu.memory_space<hbm>> -> memref<64xf32, #tpu.memory_space<hbm>>
      tpu.enqueue_dma source(%parallel_loop3A_355 : memref<64xf32, #tpu.memory_space<hbm>>) target(%parallel_loop3A_352 : memref<64xf32, #tpu.memory_space<vmem>>) target_semaphore(%arg9 : memref<!tpu.dma_semaphore, #tpu.memory_space<semaphore_mem>>)
      %parallel_loop3A_356 = vector.extract_strided_slice %parallel_loop3A_70 {offsets = [15], sizes = [1], strides = [1]} : vector<16xi32> to vector<1xi32>
      %parallel_loop3A_357 = vector.extract %parallel_loop3A_356[0] : i32 from vector<1xi32>
      %parallel_loop3A_358 = arith.constant 2 : i32
      %parallel_loop3A_359 = arith.muli %parallel_loop3A_358, %parallel_loop3A_60 : i32
      %parallel_loop3A_360 = arith.constant 1 : i32
      %parallel_loop3A_361 = arith.addi %parallel_loop3A_359, %parallel_loop3A_360 : i32
      %parallel_loop3A_362 = arith.constant 7 : i32
      %parallel_loop3A_363 = arith.constant 0 : i32
      %parallel_loop3A_364 = tpu.memref_slice %arg6[%parallel_loop3A_361, %parallel_loop3A_362, %parallel_loop3A_363] : memref<64x8x64xf32, #tpu.memory_space<vmem>> -> memref<1x1x64xf32, #tpu.memory_space<vmem>>
      %parallel_loop3A_365 = tpu.memref_squeeze %parallel_loop3A_364 : memref<1x1x64xf32, #tpu.memory_space<vmem>> -> memref<64xf32, #tpu.memory_space<vmem>>
      %parallel_loop3A_366 = arith.constant 0 : i32
      %parallel_loop3A_367 = tpu.memref_slice %arg2[%parallel_loop3A_357, %parallel_loop3A_366] : memref<1000000x64xf32, #tpu.memory_space<hbm>> -> memref<1x64xf32, #tpu.memory_space<hbm>>
      %parallel_loop3A_368 = tpu.memref_squeeze %parallel_loop3A_367 : memref<1x64xf32, #tpu.memory_space<hbm>> -> memref<64xf32, #tpu.memory_space<hbm>>
      %parallel_loop3A_369 = arith.constant 0 : i32
      %parallel_loop3A_370 = tpu.memref_slice %arg6[%parallel_loop3A_361, %parallel_loop3A_362, %parallel_loop3A_369] : memref<64x8x64xf32, #tpu.memory_space<vmem>> -> memref<1x1x64xf32, #tpu.memory_space<vmem>>
      %parallel_loop3A_371 = tpu.memref_squeeze %parallel_loop3A_370 : memref<1x1x64xf32, #tpu.memory_space<vmem>> -> memref<64xf32, #tpu.memory_space<vmem>>
      %parallel_loop3A_372 = arith.constant 0 : i32
      %parallel_loop3A_373 = tpu.memref_slice %arg2[%parallel_loop3A_357, %parallel_loop3A_372] : memref<1000000x64xf32, #tpu.memory_space<hbm>> -> memref<1x64xf32, #tpu.memory_space<hbm>>
      %parallel_loop3A_374 = tpu.memref_squeeze %parallel_loop3A_373 : memref<1x64xf32, #tpu.memory_space<hbm>> -> memref<64xf32, #tpu.memory_space<hbm>>
      tpu.enqueue_dma source(%parallel_loop3A_374 : memref<64xf32, #tpu.memory_space<hbm>>) target(%parallel_loop3A_371 : memref<64xf32, #tpu.memory_space<vmem>>) target_semaphore(%arg10 : memref<!tpu.dma_semaphore, #tpu.memory_space<semaphore_mem>>)
    } {sc.loop_unroll_factor = 4 : i64, sc.parallel_access}
    %dma_wait3A = arith.constant 0 : i32
    %dma_wait3A_3 = arith.constant 0 : i32
    %dma_wait3A_4 = arith.constant 0 : i32
    %dma_wait3A_5 = tpu.memref_slice %arg6[%dma_wait3A, %dma_wait3A_3, %dma_wait3A_4] : memref<64x8x64xf32, #tpu.memory_space<vmem>> -> memref<16x8x64xf32, #tpu.memory_space<vmem>>
    %dma_wait3A_6 = arith.constant 0 : i32
    %dma_wait3A_7 = arith.constant 0 : i32
    %dma_wait3A_8 = tpu.memref_slice %arg2[%dma_wait3A_6, %dma_wait3A_7] : memref<1000000x64xf32, #tpu.memory_space<hbm>> -> memref<16x64xf32, #tpu.memory_space<hbm>>
    %dma_wait3A_9 = arith.constant 0 : i32
    %dma_wait3A_10 = arith.constant 0 : i32
    %dma_wait3A_11 = arith.constant 0 : i32
    %dma_wait3A_12 = tpu.memref_slice %arg6[%dma_wait3A_9, %dma_wait3A_10, %dma_wait3A_11] : memref<64x8x64xf32, #tpu.memory_space<vmem>> -> memref<16x8x64xf32, #tpu.memory_space<vmem>>
    %dma_wait3A_13 = arith.constant 0 : i32
    %dma_wait3A_14 = arith.constant 0 : i32
    %dma_wait3A_15 = tpu.memref_slice %arg2[%dma_wait3A_13, %dma_wait3A_14] : memref<1000000x64xf32, #tpu.memory_space<hbm>> -> memref<16x64xf32, #tpu.memory_space<hbm>>
    tpu.wait_dma2 semaphore(%arg7 : memref<!tpu.dma_semaphore, #tpu.memory_space<semaphore_mem>>) src(%dma_wait3A_15 : memref<16x64xf32, #tpu.memory_space<hbm>>) dst(%dma_wait3A_12 : memref<16x8x64xf32, #tpu.memory_space<vmem>>)
    %dma_wait3A_16 = arith.constant 0 : i32
    %dma_wait3A_17 = arith.constant 0 : i32
    %dma_wait3A_18 = arith.constant 0 : i32
    %dma_wait3A_19 = tpu.memref_slice %arg6[%dma_wait3A_16, %dma_wait3A_17, %dma_wait3A_18] : memref<64x8x64xf32, #tpu.memory_space<vmem>> -> memref<16x8x64xf32, #tpu.memory_space<vmem>>
    %dma_wait3A_20 = arith.constant 0 : i32
    %dma_wait3A_21 = arith.constant 0 : i32
    %dma_wait3A_22 = tpu.memref_slice %arg2[%dma_wait3A_20, %dma_wait3A_21] : memref<1000000x64xf32, #tpu.memory_space<hbm>> -> memref<16x64xf32, #tpu.memory_space<hbm>>
    %dma_wait3A_23 = arith.constant 0 : i32
    %dma_wait3A_24 = arith.constant 0 : i32
    %dma_wait3A_25 = arith.constant 0 : i32
    %dma_wait3A_26 = tpu.memref_slice %arg6[%dma_wait3A_23, %dma_wait3A_24, %dma_wait3A_25] : memref<64x8x64xf32, #tpu.memory_space<vmem>> -> memref<16x8x64xf32, #tpu.memory_space<vmem>>
    %dma_wait3A_27 = arith.constant 0 : i32
    %dma_wait3A_28 = arith.constant 0 : i32
    %dma_wait3A_29 = tpu.memref_slice %arg2[%dma_wait3A_27, %dma_wait3A_28] : memref<1000000x64xf32, #tpu.memory_space<hbm>> -> memref<16x64xf32, #tpu.memory_space<hbm>>
    tpu.wait_dma2 semaphore(%arg8 : memref<!tpu.dma_semaphore, #tpu.memory_space<semaphore_mem>>) src(%dma_wait3A_29 : memref<16x64xf32, #tpu.memory_space<hbm>>) dst(%dma_wait3A_26 : memref<16x8x64xf32, #tpu.memory_space<vmem>>)
    %dma_wait3A_30 = arith.constant 0 : i32
    %dma_wait3A_31 = arith.constant 0 : i32
    %dma_wait3A_32 = arith.constant 0 : i32
    %dma_wait3A_33 = tpu.memref_slice %arg6[%dma_wait3A_30, %dma_wait3A_31, %dma_wait3A_32] : memref<64x8x64xf32, #tpu.memory_space<vmem>> -> memref<16x8x64xf32, #tpu.memory_space<vmem>>
    %dma_wait3A_34 = arith.constant 0 : i32
    %dma_wait3A_35 = arith.constant 0 : i32
    %dma_wait3A_36 = tpu.memref_slice %arg2[%dma_wait3A_34, %dma_wait3A_35] : memref<1000000x64xf32, #tpu.memory_space<hbm>> -> memref<16x64xf32, #tpu.memory_space<hbm>>
    %dma_wait3A_37 = arith.constant 0 : i32
    %dma_wait3A_38 = arith.constant 0 : i32
    %dma_wait3A_39 = arith.constant 0 : i32
    %dma_wait3A_40 = tpu.memref_slice %arg6[%dma_wait3A_37, %dma_wait3A_38, %dma_wait3A_39] : memref<64x8x64xf32, #tpu.memory_space<vmem>> -> memref<16x8x64xf32, #tpu.memory_space<vmem>>
    %dma_wait3A_41 = arith.constant 0 : i32
    %dma_wait3A_42 = arith.constant 0 : i32
    %dma_wait3A_43 = tpu.memref_slice %arg2[%dma_wait3A_41, %dma_wait3A_42] : memref<1000000x64xf32, #tpu.memory_space<hbm>> -> memref<16x64xf32, #tpu.memory_space<hbm>>
    tpu.wait_dma2 semaphore(%arg9 : memref<!tpu.dma_semaphore, #tpu.memory_space<semaphore_mem>>) src(%dma_wait3A_43 : memref<16x64xf32, #tpu.memory_space<hbm>>) dst(%dma_wait3A_40 : memref<16x8x64xf32, #tpu.memory_space<vmem>>)
    %dma_wait3A_44 = arith.constant 0 : i32
    %dma_wait3A_45 = arith.constant 0 : i32
    %dma_wait3A_46 = arith.constant 0 : i32
    %dma_wait3A_47 = tpu.memref_slice %arg6[%dma_wait3A_44, %dma_wait3A_45, %dma_wait3A_46] : memref<64x8x64xf32, #tpu.memory_space<vmem>> -> memref<16x8x64xf32, #tpu.memory_space<vmem>>
    %dma_wait3A_48 = arith.constant 0 : i32
    %dma_wait3A_49 = arith.constant 0 : i32
    %dma_wait3A_50 = tpu.memref_slice %arg2[%dma_wait3A_48, %dma_wait3A_49] : memref<1000000x64xf32, #tpu.memory_space<hbm>> -> memref<16x64xf32, #tpu.memory_space<hbm>>
    %dma_wait3A_51 = arith.constant 0 : i32
    %dma_wait3A_52 = arith.constant 0 : i32
    %dma_wait3A_53 = arith.constant 0 : i32
    %dma_wait3A_54 = tpu.memref_slice %arg6[%dma_wait3A_51, %dma_wait3A_52, %dma_wait3A_53] : memref<64x8x64xf32, #tpu.memory_space<vmem>> -> memref<16x8x64xf32, #tpu.memory_space<vmem>>
    %dma_wait3A_55 = arith.constant 0 : i32
    %dma_wait3A_56 = arith.constant 0 : i32
    %dma_wait3A_57 = tpu.memref_slice %arg2[%dma_wait3A_55, %dma_wait3A_56] : memref<1000000x64xf32, #tpu.memory_space<hbm>> -> memref<16x64xf32, #tpu.memory_space<hbm>>
    tpu.wait_dma2 semaphore(%arg10 : memref<!tpu.dma_semaphore, #tpu.memory_space<semaphore_mem>>) src(%dma_wait3A_57 : memref<16x64xf32, #tpu.memory_space<hbm>>) dst(%dma_wait3A_54 : memref<16x8x64xf32, #tpu.memory_space<vmem>>)
    %mul3A_58 = arith.constant 64 : i32
    %mul3A_59 = arith.muli %add3A, %mul3A_58 : i32
    "tpu.region"() ({
      %run_scoped3A = tpu.sem_alloc : memref<!tpu.dma_semaphore, #tpu.memory_space<semaphore_mem>>
      %dma_start3A = tpu.memref_reshape %arg4 : memref<16384x64xf32, #tpu.memory_space<hbm>> -> memref<2048x8x64xf32, #tpu.memory_space<hbm>>
      %dma_start3A_60 = arith.constant 0 : i32
      %dma_start3A_61 = arith.constant 0 : i32
      %dma_start3A_62 = tpu.memref_slice %dma_start3A[%mul3A_59, %dma_start3A_60, %dma_start3A_61] : memref<2048x8x64xf32, #tpu.memory_space<hbm>> -> memref<64x8x64xf32, #tpu.memory_space<hbm>>
      %dma_start3A_63 = tpu.memref_reshape %arg4 : memref<16384x64xf32, #tpu.memory_space<hbm>> -> memref<2048x8x64xf32, #tpu.memory_space<hbm>>
      %dma_start3A_64 = arith.constant 0 : i32
      %dma_start3A_65 = arith.constant 0 : i32
      %dma_start3A_66 = tpu.memref_slice %dma_start3A_63[%mul3A_59, %dma_start3A_64, %dma_start3A_65] : memref<2048x8x64xf32, #tpu.memory_space<hbm>> -> memref<64x8x64xf32, #tpu.memory_space<hbm>>
      tpu.enqueue_dma source(%arg6 : memref<64x8x64xf32, #tpu.memory_space<vmem>>) target(%dma_start3A_66 : memref<64x8x64xf32, #tpu.memory_space<hbm>>) target_semaphore(%run_scoped3A : memref<!tpu.dma_semaphore, #tpu.memory_space<semaphore_mem>>)
      %dma_wait3A_67 = tpu.memref_reshape %arg4 : memref<16384x64xf32, #tpu.memory_space<hbm>> -> memref<2048x8x64xf32, #tpu.memory_space<hbm>>
      %dma_wait3A_68 = arith.constant 0 : i32
      %dma_wait3A_69 = arith.constant 0 : i32
      %dma_wait3A_70 = tpu.memref_slice %dma_wait3A_67[%mul3A_59, %dma_wait3A_68, %dma_wait3A_69] : memref<2048x8x64xf32, #tpu.memory_space<hbm>> -> memref<64x8x64xf32, #tpu.memory_space<hbm>>
      %dma_wait3A_71 = tpu.memref_reshape %arg4 : memref<16384x64xf32, #tpu.memory_space<hbm>> -> memref<2048x8x64xf32, #tpu.memory_space<hbm>>
      %dma_wait3A_72 = arith.constant 0 : i32
      %dma_wait3A_73 = arith.constant 0 : i32
      %dma_wait3A_74 = tpu.memref_slice %dma_wait3A_71[%mul3A_59, %dma_wait3A_72, %dma_wait3A_73] : memref<2048x8x64xf32, #tpu.memory_space<hbm>> -> memref<64x8x64xf32, #tpu.memory_space<hbm>>
      tpu.wait_dma2 semaphore(%run_scoped3A : memref<!tpu.dma_semaphore, #tpu.memory_space<semaphore_mem>>) src(%arg6 : memref<64x8x64xf32, #tpu.memory_space<vmem>>) dst(%dma_wait3A_74 : memref<64x8x64xf32, #tpu.memory_space<hbm>>)
      tpu.yield
    }) : () -> ()
    return
  }
}

</mosaic_0001>

<sc_bundles>
// kernel: kernel.3.cloned.1.call-start
scs
__scs_entry_jumppad:
0x0: {  	(pc) =	sbr.rel $0x88, $3  }
0x1: {  	(tag) =	ssettag $0x0;
	lr =	simm.s32 $0x1  }
0x2: {  	[smem:$0x3F9F] =	sst lr;
	_ =	strace $0xD0000000  }
0x3: {  	_ = 	snop  }
0x4: {  	_ = 	snop  }
0x5: {  	_ = 	snop  }
0x6: {  	_ = 	snop  }
0x7: {  	_ = 	snop  }
__scs_overlays_trampoline_lowered:
0x8: {  	[smem:$0x3FAE] =	sst s0  }
0x9: {  	[smem:$0x3FAF] =	sst s1  }
0xa: {  	[smem:$0x3FB0] =	sst s2  }
0xb: {  	[smem:$0x3FB1] =	sst s3  }
0xc: {  	[smem:$0x3FB2] =	sst s4  }
0xd: {  	[smem:$0x3FB3] =	sst s5  }
0xe: {  	[smem:$0x3FB4] =	sst s6  }
0xf: {  	[smem:$0x3FB5] =	sst s7  }
0x10: {  	[smem:$0x3FB6] =	sst s8  }
0x11: {  	[smem:$0x3FB7] =	sst s9;
	s0 =	simm.s32 @!p0 $0x0  }
0x12: {  	s1 =	sld [smem:$0x3F9D];
	s0 =	simm.s32 @p0 $0x1  }
0x13: {  	[smem:$0x3FB8] =	sst s0;
	s0 =	simm.s32 @!p1 $0x0  }
0x14: {  	s2 =	sld [smem:$0x3F9C];
	s0 =	simm.s32 @p1 $0x1  }
0x15: {  	[smem:$0x3FB9] =	sst s0;
	s0 =	simm.s32 @!p2 $0x0  }
0x16: {  	s3 =	sld [smem:$0x3FDB];
	s0 =	simm.s32 @p2 $0x1  }
0x17: {  	s4 =	simm.s32 $0x1BF5;
	[smem:$0x3FBB] =	sst s0  }
0x18: {  	s0 =	sld [smem:$0x3F9E];
	_ =	swait.ge [sflag:s4], $0x0  }
0x19: {  	s7 =	sld [smem:$0x3F9F]  }
0x1a: {  	s8 =	sadd.s32 $0xFFFFE003, lr  }
0x1b: {  	s9 =	sadd.s32 $0xFFFFFEF7, lr;
	s5 =	simm.s32 $0xFFFFFFFF;
	p2 =	slt.u32 s8, $0xFFFFF086  }
0x1c: {  	p1 =	slt.u32 s9, $0xF7A;
	s5 =	simm.s32 @!p2 $0x0  }
0x1d: {  	s5 =	simm.s32 @p1 $0x1;
	p0 =	seq.s32 s7, s2  }
0x1e: {  	s7 =	smul.u32 @!p0 $0xF7A, s2;
	p2 =	seq.s32 @!p0 s5, $0x0  }
0x1f: {  	s9 =	smul.u32 $0xF7A, s1;
	s8 =	simm.s32 @!p0 $0x1BF5;
	p2 =	por !p2, p0  }
0x20: {  	[sflag:s8] =	ssyncset.s32 @!p0 $0xFFFFF086;
	s6 =	sadd.s32 @!p0 s3, s7;
	s7 =	simm.s32 @!p0 $0x108  }
0x21: {  	s3 =	sadd.s32 s3, s9;
	s6 =	sadd.s32 @!p0 $0x88, s6;
	s7 =	simm.s32 @p2 $0x1082  }
0x22: {  	[simem:s7], [sflag:s8] =	dma.local @!p0 [hbm:s6], $0xF7A  }
0x23: {  	s9 =	sor.u32 $0xD0000000, s2;
	s6 =	simm.s32 $0x108;
	_ =	swait.ge @!p0 [sflag:s8], $0x0  }
0x24: {  	s3 =	sadd.s32 $0x88, s3;
	s6 =	simm.s32 @!p1 $0x1082;
	[sflag:s4] =	ssyncset.s32 $0xFFFFF086  }
0x25: {  	[simem:s6], [sflag:s4] =	dma.local [hbm:s3], $0xF7A  }
0x26: {  	[smem:$0x3F9F] =	sst s1;
	(tag) =	ssettag s2;
	_ =	strace s9  }
0x27: {  	s1 =	sld [smem:$0x3FAF]  }
0x28: {  	s2 =	sld [smem:$0x3FB0]  }
0x29: {  	s4 =	sld [smem:$0x3FB2]  }
0x2a: {  	p0 =	seq.s32 s5, $0x0;
	s5 =	sld [smem:$0x3FB3]  }
0x2b: {  	s6 =	sld [smem:$0x3FB4]  }
0x2c: {  	s7 =	sld [smem:$0x3FB5]  }
0x2d: {  	s3 =	simm.s32 $0x108;
	s8 =	sld [smem:$0x3FB6]  }
0x2e: {  	s3 =	simm.s32 @!p0 $0x1082;
	s9 =	sld [smem:$0x3FB7]  }
0x2f: {  	lr =	sadd.s32 s0, s3;
	s0 =	sld [smem:$0x3FAE]  }
0x30: {  	s3 =	sld [smem:$0x3FB1]  }
0x31: {  	[smem:$0x3FBA] =	sst s10  }
0x32: {  	s10 =	sld [smem:$0x3FB8];
	_ =	sdelay $0x3  }
0x33: {  	p0 =	seq.s32 s10, $0x1;
	s10 =	sld [smem:$0x3FBA];
	_ =	sdelay $0x3  }
0x34: {  	[smem:$0x3FBA] =	sst s10  }
0x35: {  	s10 =	sld [smem:$0x3FB9];
	_ =	sdelay $0x3  }
0x36: {  	p1 =	seq.s32 s10, $0x1;
	s10 =	sld [smem:$0x3FBA];
	_ =	sdelay $0x3  }
0x37: {  	[smem:$0x3FBA] =	sst s10  }
0x38: {  	s10 =	sld [smem:$0x3FBB]  }
0x39: {  	_ = 	snop;
	(pc) =	sbr.ind lr, $3  }
0x3a: {  	_ = 	snop  }
0x3b: {  	_ = 	snop  }
0x3c: {  	p2 =	seq.s32 s10, $0x1;
	s10 =	sld [smem:$0x3FBA]  }
0x3d: {  	_ =	shalt  }
0x3e: {  	_ =	shalt  }
0x3f: {  	_ =	shalt  }
0x40: {  	_ =	shalt  }
0x41: {  	_ =	shalt  }
0x42: {  	_ =	shalt  }
0x43: {  	_ =	shalt  }
0x44: {  	_ =	shalt  }
0x45: {  	_ =	shalt  }
0x46: {  	_ =	shalt  }
0x47: {  	_ =	shalt  }
0x48: {  	_ =	shalt  }
0x49: {  	_ =	shalt  }
0x4a: {  	_ =	shalt  }
0x4b: {  	_ =	shalt  }
0x4c: {  	_ =	shalt  }
0x4d: {  	_ =	shalt  }
0x4e: {  	_ =	shalt  }
0x4f: {  	_ =	shalt  }
0x50: {  	_ =	shalt  }
0x51: {  	_ =	shalt  }
0x52: {  	_ =	shalt  }
0x53: {  	_ =	shalt  }
0x54: {  	_ =	shalt  }
0x55: {  	_ =	shalt  }
0x56: {  	_ =	shalt  }
0x57: {  	_ =	shalt  }
0x58: {  	_ =	shalt  }
0x59: {  	_ =	shalt  }
0x5a: {  	_ =	shalt  }
0x5b: {  	_ =	shalt  }
0x5c: {  	_ =	shalt  }
0x5d: {  	_ =	shalt  }
0x5e: {  	_ =	shalt  }
0x5f: {  	_ =	shalt  }
0x60: {  	_ =	shalt  }
0x61: {  	_ =	shalt  }
0x62: {  	_ =	shalt  }
0x63: {  	_ =	shalt  }
0x64: {  	_ =	shalt  }
0x65: {  	_ =	shalt  }
0x66: {  	_ =	shalt  }
0x67: {  	_ =	shalt  }
0x68: {  	_ =	shalt  }
0x69: {  	_ =	shalt  }
0x6a: {  	_ =	shalt  }
0x6b: {  	_ =	shalt  }
0x6c: {  	_ =	shalt  }
0x6d: {  	_ =	shalt  }
0x6e: {  	_ =	shalt  }
0x6f: {  	_ =	shalt  }
0x70: {  	_ =	shalt  }
0x71: {  	_ =	shalt  }
0x72: {  	_ =	shalt  }
0x73: {  	_ =	shalt  }
0x74: {  	_ =	shalt  }
0x75: {  	_ =	shalt  }
0x76: {  	_ =	shalt  }
0x77: {  	_ =	shalt  }
0x78: {  	_ =	shalt  }
0x79: {  	_ =	shalt  }
0x7a: {  	_ =	shalt  }
0x7b: {  	_ =	shalt  }
0x7c: {  	_ =	shalt  }
0x7d: {  	_ =	shalt  }
0x7e: {  	_ =	shalt  }
0x7f: {  	_ =	shalt  }
0x80: {  	_ =	shalt  }
0x81: {  	_ =	shalt  }
0x82: {  	_ =	shalt  }
0x83: {  	_ =	shalt  }
0x84: {  	_ =	shalt  }
0x85: {  	_ =	shalt  }
0x86: {  	_ =	shalt  }
0x87: {  	_ =	shalt  }
.Lfunc_end0:
.L_simem_size_0:
called_computation_lowered:
.L_overlay_start_0:
0x88: {  	s2 =	sld [smem:$0x3FD9]  }
0x89: {  	s3 =	sld [smem:$0x3FFE];
	_ =	sdelay $0x1  }
0x8a: {  	s1 =	srdreg.scid  }
0x8b: {  	s0 =	sand.u32 $0x1, s1  }
0x8c: {  	s17 =	sshll.u32 s0, $0xA;
	s2 =	sadd.s32 s3, s2  }
0x8d: {  	s2 =	sadd.s32 s2, s17  }
0x8e: {  	[smem:$0x3FC6] =	sst s2  }
0x8f: {  	_ = 	snop  }
0x90: {  	s2 =	sld [smem:$0x3FC9];
	(tm) =	ssettm $0x1  }
0x91: {  	s18 =	sld [smem:$0x3FFB];
	_ =	sdelay $0x3  }
0x92: {  	_ =	strace s18  }
0x93: {  	s3 =	sld [smem:$0x3FFC];
	_ =	sdelay $0x3  }
0x94: {  	_ =	strace s3  }
0x95: {  	s3 =	sld [smem:$0x3FFD];
	_ =	sdelay $0x3  }
0x96: {  	_ =	strace s3  }
0x97: {  	_ =	strace $0x8FFFFFFF  }
0x98: {  	s19 =	sld [smem:$0x3FDB];
	_ =	sdelay $0x1  }
0x99: {  	s4 =	simm.s32 $_scs_section_size  }
0x9a: {  	s5 =	simm.s32 $_size__tile_overlayer_lowered;
	s6 =	simm.s32 $_tile_overlayer_lowered  }
0x9b: {  	s22 =	simm.s32 $0x1BFF;
	s21 =	sshll.u32 s6, $0x1;
	s3 =	sadd.s32 s4, s19  }
0x9c: {  	s7 =	simm.s32 $0x0;
	s20 =	sshll.u32 s5, $0x1;
	s5 =	sadd.s32 s21, s3  }
0x9d: {  	[timem:s7], [sflag:s22] =	dma.local [hbm:s5], s20  }
0x9e: {  	_ =	swait.ge [sflag:s22], s20  }
0x9f: {  	s4 =	ssub.s32 $0x0, s20;
	[sflag:s22] =	ssyncset.done $0x0  }
0xa0: {  	[sflag:s22] =	ssyncadd.s32 s4;
	_ =	sdelay $0x1  }
0xa1: {  	s23 =	simm.s32 $0x1B8B  }
0xa2: {  	_ =	swait.ge [sflag:s23], $0x1  }
0xa3: {  	[sflag:s23] =	ssyncset.done $0x0  }
0xa4: {  	s25 =	simm.s32 $0x1B8E;
	s24 =	sld [smem:$0x3FFE];
	[sflag:s23] =	ssyncadd.s32 $0xFFFFFFFF  }
0xa5: {  	s26 =	simm.s32 $execute0_lowered;
	[smem:$0x3FD2] =	sst s25  }
0xa6: {  	s5 =	sshll.u32 s26, $0x1;
	_ =	strace $0x80000046;
	[dreg:$0x1] =	wrdreg $0xFFFFFFFF  }
0xa7: {  	s28 =	simm.s32 $_size_execute0_lowered;
	s3 =	sadd.s32 s3, s5;
	[dreg:$0x0] =	wrdreg $0x0  }
0xa8: {  	s5 =	sshll.u32 s28, $0x1;
	[dreg:$0x2] =	wrdreg s3  }
0xa9: {  	[dreg:$0x3] =	wrdreg s5  }
0xaa: {  	[dreg:$0x4] =	wrdreg $0xC0  }
0xab: {  	_ =	task [dreg:s7], $0x5FFFF  }
0xac: {  	[dreg:$0x1] =	wrdreg $0xFFFFFFFF  }
0xad: {  	[dreg:$0x0] =	wrdreg $0x60  }
0xae: {  	[dreg:$0x2] =	wrdreg s24  }
0xaf: {  	[dreg:$0x3] =	wrdreg s2  }
0xb0: {  	[dreg:$0x4] =	wrdreg $0x9  }
0xb1: {  	_ =	task.clear_ibuf [dreg:s7], $0x5FFFF;
	_ =	strace $0x90000046  }
0xb2: {  	s29 =	simm.s32 $0x9;
	_ =	strace $0x80000048  }
0xb3: {  	_ =	swait.ge [sflag:s29], $0x1  }
0xb4: {  	[sflag:s29] =	ssyncadd.s32 $0xFFFFFFFF  }
0xb5: {  	_ =	strace $0x90000048  }
0xb6: {  	_ =	sfence  }
0xb7: {  	s30 =	sld [smem:$0x0];
	_ =	sdelay $0x2  }
0xb8: {  	s31 =	sshll.u32 s1, $0xD;
	s1 =	sshrl.u32 s1, $0x2  }
0xb9: {  	s3 =	sand.u32 $0x4000, s31;
	s1 =	sadd.s32 s1, s30  }
0xba: {  	s0 =	sor.u32 s3, s0;
	s1 =	sshll.u32 s1, $0x11  }
0xbb: {  	s0 =	sor.u32 s1, s0  }
0xbc: {  	s0 =	sadd.s32 $0x8F2B, s0  }
0xbd: {  	[sflag:s0] =	ssyncadd.remote.s32 $0x1  }
0xbe: {  	_ =	sfence.sel $0xFFFF  }
0xbf: {  	[dreg:$0x0] =	wrdreg $0xFFFFFFFF;
	(pc) =	sbr.abs _section_cstart, $3  }
0xc0: {  	[dreg:$0x1] =	wrdreg $0xFFFFFFFF  }
0xc1: {  	_ =	task.clear_ibuf [dreg:s7], $0x2FFFF;
	_ =	strace $0x9FFFFFFF  }
0xc2: {  	(tm) =	ssettm $0x7FFFFFFF  }
0xc3: {  	_ =	shalt  }
tec
execute0_lowered:
.L_overlay_start_1:
0x0: {  	(tag) =	ssettag $0x1  }
0x1: {  	s0 =	rddreg [dreg:$0x0]  }
0x2: {  	s1 =	rddreg [dreg:$0x1]  }
0x3: {  	s2 =	simm.s32 $0x0;
	s3 =	srdreg.scid;
	s5 =	stileid.u32  }
0x4: {  	[smem:$0x7FF] =	sst s2;
	s4 =	sand.u32 $0x1, s3;
	s5 =	sshll.u32 s5, $0x1  }
0x5: {  	s3 =	sadd.s32 $0x400, s0;
	_ =	strace $0x80000047;
	s5 =	sor.u32 s4, s5  }
0x6: {  	s4 =	ssub.s32 $0x2, s4;
	s6 =	sshll.u32 s5, $0xD;
	s5 =	sshll.u32 s5, $0x6  }
0x7: {  	s7 =	sshrl.u32 s4, $0x1;
	s0 =	sadd.s32 s6, s0;
	s1 =	sadd.s32 s1, s5  }
0x8: {  	s4 =	ssub.s32 s4, s7;
	[dreg:$0x10] =	wrdreg s1;
	s0 =	sadd.s32 $0xF42800, s0  }
0x9: {  	s31 =	smax.u32 s4, $0x1;
	[dreg:$0x11] =	wrdreg s0  }
0xa: {  	s1 =	simm.s32 $0x5;
	s4 =	simm.s32 $0x0;
	[dreg:$0x12] =	wrdreg s31  }
.LBB2_1:
0xb: {  	[dreg:$0x13] =	wrdreg s4  }
0xc: {  	s0 =	rddreg [dreg:$0x10]  }
0xd: {  	[tilespmem:s2], [sflag:$0x5] =	stream.linear.gather [hbm4b:s0+s2], $0x200, $0x38;
	[tilespmem:$0x10200] =	vst v63  }
0xe: {  	_ =	swait.ge [sflag:s1], $0x200  }
0xf: {  	s0 =	simm.s32 $0x0;
	[sflag:s1] =	ssyncset.done $0x0  }
0x10: {  	s21 =	sand.u32 $0x1C0, s0;
	[sflag:s1] =	ssyncadd.s32 $0xFFFFFE00  }
0x11: {  	v0 =	vld [tilespmem:s21+$0x0];
	_ =	sdelay $0x4  }
0x12: {  	v0 =	vshll.u32 v0, $0x4  }
0x13: {  	(v2sf) =	vpush v0, $0x0  }
0x14: {  	(v2sf) =	vpush v0, $0x1  }
0x15: {  	(v2sf) =	vpush v0, $0x2;
	_ =	sdelay $0x1  }
0x16: {  	(v2sf) =	vpush v0, $0x3  }
0x17: {  	(v2sf) =	vpush v0, $0x4;
	_ =	sdelay $0x3  }
0x18: {  	(v2sf) =	vpush v0, $0x5;
	_ =	sdelay $0x4  }
0x19: {  	s22 =	simm.s32 $0x380;
	s23 =	simm.s32 $0x280  }
0x1a: {  	s5 =	simm.s32 $0x300;
	s7 =	simm.s32 $0x200;
	s6 =	spop (v2sf);
	(v2sf) =	vpush v0, $0x6  }
0x1b: {  	s15 =	simm.s32 $0x400;
	s6 =	sand.u32 $0x1FFFFFF0, s6;
	s8 =	spop (v2sf);
	(v2sf) =	vpush v0, $0x7  }
0x1c: {  	s18 =	simm.s32 $0x480;
	s6 =	sadd.s32 s3, s6;
	s9 =	spop (v2sf);
	(v2sf) =	vpush v0, $0x8  }
0x1d: {  	[tilespmem:s7], [sflag:$0x1] =	stream.linear.gather [hbm4b:s6+s2], $0x80, $0x38;
	[tilespmem:$0x10200] =	vst v63  }
0x1e: {  	s4 =	simm.s32 $0x800;
	s8 =	sand.u32 $0x1FFFFFF0, s8;
	s26 =	spop (v2sf);
	(v2sf) =	vpush v0, $0x9  }
0x1f: {  	s24 =	sadd.s32 s3, s8;
	s25 =	sand.u32 $0x1FFFFFF0, s9;
	s11 =	spop (v2sf);
	(v2sf) =	vpush v0, $0xA  }
0x20: {  	[tilespmem:s23], [sflag:$0x2] =	stream.linear.gather [hbm4b:s24+s2], $0x80, $0x38;
	[tilespmem:$0x10200] =	vst v63  }
0x21: {  	s20 =	simm.s32 $0x680;
	s9 =	sadd.s32 s3, s25;
	s10 =	sand.u32 $0x1FFFFFF0, s26  }
0x22: {  	[tilespmem:s5], [sflag:$0x3] =	stream.linear.gather [hbm4b:s9+s2], $0x80, $0x38;
	[tilespmem:$0x10200] =	vst v63  }
0x23: {  	s12 =	sadd.s32 s3, s10;
	s13 =	sand.u32 $0x1FFFFFF0, s11;
	s14 =	spop (v2sf);
	(v2sf) =	vpush v0, $0xB  }
0x24: {  	[tilespmem:s22], [sflag:$0x4] =	stream.linear.gather [hbm4b:s12+s2], $0x80, $0x38;
	[tilespmem:$0x10200] =	vst v63  }
0x25: {  	s29 =	sand.u32 $0x180, s0;
	s16 =	sadd.s32 s3, s13;
	s17 =	sand.u32 $0x1FFFFFF0, s14;
	(v2sf) =	vpush v0, $0xC  }
0x26: {  	[tilespmem:s15], [sflag:$0x1] =	stream.linear.gather [hbm4b:s16+s2], $0x80, $0x38;
	[tilespmem:$0x10200] =	vst v63  }
0x27: {  	s1 =	simm.s32 $0x880;
	s21 =	simm.s32 $0x700;
	s19 =	sadd.s32 s3, s17;
	(v2sf) =	vpush v0, $0xD  }
0x28: {  	[tilespmem:s18], [sflag:$0x2] =	stream.linear.gather [hbm4b:s19+s2], $0x80, $0x38;
	[tilespmem:$0x10200] =	vst v63  }
0x29: {  	s23 =	simm.s32 $0x580;
	s11 =	simm.s32 $0x500;
	(v2sf) =	vpush v0, $0xE;
	s10 =	spop (v2sf)  }
0x2a: {  	s5 =	simm.s32 $0x780;
	s10 =	sand.u32 $0x1FFFFFF0, s10;
	s12 =	spop (v2sf)  }
0x2b: {  	(v2sf) =	vpush v0, $0xF;
	s10 =	sadd.s32 s3, s10;
	s12 =	sand.u32 $0x1FFFFFF0, s12;
	s13 =	spop (v2sf)  }
0x2c: {  	[tilespmem:s11], [sflag:$0x3] =	stream.linear.gather [hbm4b:s10+s2], $0x80, $0x38;
	[tilespmem:$0x10200] =	vst v63  }
0x2d: {  	s22 =	simm.s32 $0x600;
	s24 =	sadd.s32 s3, s12;
	s26 =	spop (v2sf)  }
0x2e: {  	s25 =	sand.u32 $0x1FFFFFF0, s13;
	s10 =	simm.s32 $0x900;
	s14 =	spop (v2sf)  }
0x2f: {  	[tilespmem:s23], [sflag:$0x4] =	stream.linear.gather [hbm4b:s24+s2], $0x80, $0x38;
	[tilespmem:$0x10200] =	vst v63  }
0x30: {  	s11 =	sadd.s32 s3, s25;
	s13 =	sand.u32 $0x1FFFFFF0, s26;
	s16 =	sand.u32 $0x1FFFFFF0, s14  }
0x31: {  	[tilespmem:s22], [sflag:$0x1] =	stream.linear.gather [hbm4b:s11+s2], $0x80, $0x38;
	[tilespmem:$0x10200] =	vst v63  }
0x32: {  	s15 =	sadd.s32 s3, s13;
	s17 =	spop (v2sf);
	s18 =	sadd.s32 s3, s16  }
0x33: {  	[tilespmem:s20], [sflag:$0x2] =	stream.linear.gather [hbm4b:s15+s2], $0x80, $0x38;
	[tilespmem:$0x10200] =	vst v63  }
0x34: {  	s19 =	sand.u32 $0x1FFFFFF0, s17;
	s20 =	spop (v2sf);
	s15 =	simm.s32 $0x10  }
0x35: {  	[tilespmem:s21], [sflag:$0x3] =	stream.linear.gather [hbm4b:s18+s2], $0x80, $0x38;
	[tilespmem:$0x10200] =	vst v63  }
0x36: {  	s22 =	sand.u32 $0x1FFFFFF0, s20;
	s23 =	spop (v2sf);
	s21 =	sadd.s32 s3, s19  }
0x37: {  	[tilespmem:s5], [sflag:$0x4] =	stream.linear.gather [hbm4b:s21+s2], $0x80, $0x38;
	[tilespmem:$0x10200] =	vst v63  }
0x38: {  	s24 =	sadd.s32 s3, s22;
	s25 =	sand.u32 $0x1FFFFFF0, s23;
	s26 =	spop (v2sf)  }
0x39: {  	[tilespmem:s4], [sflag:$0x1] =	stream.linear.gather [hbm4b:s24+s2], $0x80, $0x38;
	[tilespmem:$0x10200] =	vst v63  }
0x3a: {  	s6 =	sadd.s32 s3, s25;
	s8 =	sand.u32 $0x1FFFFFF0, s26;
	s9 =	spop (v2sf)  }
0x3b: {  	[tilespmem:s1], [sflag:$0x2] =	stream.linear.gather [hbm4b:s6+s2], $0x80, $0x38;
	[tilespmem:$0x10200] =	vst v63  }
0x3c: {  	s16 =	sand.u32 $0x50, s15;
	s11 =	sadd.s32 s3, s8;
	s12 =	sand.u32 $0x1FFFFFF0, s9  }
0x3d: {  	[tilespmem:s10], [sflag:$0x3] =	stream.linear.gather [hbm4b:s11+s2], $0x80, $0x38;
	[tilespmem:$0x10200] =	vst v63  }
0x3e: {  	s13 =	simm.s32 $0x980;
	s0 =	sor.u32 s16, s29;
	s14 =	sadd.s32 s3, s12  }
0x3f: {  	[tilespmem:s13], [sflag:$0x4] =	stream.linear.gather [hbm4b:s14+s2], $0x80, $0x38;
	[tilespmem:$0x10200] =	vst v63  }
0x40: {  	v0 =	vld [tilespmem:s0+$0x0];
	_ =	sdelay $0x3  }
0x41: {  	s30 =	simm.s32 $0x30;
	s28 =	simm.s32 $0x70  }
0x42: {  	s31 =	simm.s32 $0x1E00;
	s7 =	simm.s32 $0xF00;
	s17 =	simm.s32 $0x1C80;
	v0 =	vshll.u32 v0, $0x4  }
0x43: {  	s20 =	simm.s32 $0x2080;
	s22 =	simm.s32 $0x1F80;
	s23 =	simm.s32 $0x1F00;
	(v2sf) =	vpush v0, $0x0  }
0x44: {  	s18 =	simm.s32 $0x1D00;
	s19 =	simm.s32 $0x1D80;
	s16 =	simm.s32 $0xB80;
	(v2sf) =	vpush v0, $0x1  }
0x45: {  	s25 =	simm.s32 $0x0;
	s26 =	simm.s32 $0x4180;
	s21 =	simm.s32 $0x2000;
	(v2sf) =	vpush v0, $0x2  }
0x46: {  	s5 =	simm.s32 $0x1000;
	s8 =	simm.s32 $0xE80;
	s24 =	simm.s32 $0x1E80;
	(v2sf) =	vpush v0, $0x3  }
0x47: {  	s4 =	simm.s32 $0x1080;
	s1 =	simm.s32 $0x1100;
	s6 =	simm.s32 $0xF80;
	(v2sf) =	vpush v0, $0x4  }
0x48: {  	s9 =	simm.s32 $0xE00;
	s12 =	simm.s32 $0xC80;
	[dreg:$0x5] =	wrdreg s17;
	(v2sf) =	vpush v0, $0x5  }
0x49: {  	s10 =	simm.s32 $0xD80;
	s11 =	simm.s32 $0xD00;
	[dreg:$0x4] =	wrdreg s18;
	(v2sf) =	vpush v0, $0x6  }
0x4a: {  	s14 =	simm.s32 $0x2180;
	s13 =	simm.s32 $0xC00;
	[dreg:$0x3] =	wrdreg s19;
	(v2sf) =	vpush v0, $0x7  }
0x4b: {  	s0 =	simm.s32 $0x20;
	s18 =	simm.s32 $0xA80;
	s17 =	simm.s32 $0xB00;
	(v2sf) =	vpush v0, $0x8  }
.LBB2_2:
0x4c: {  	[dreg:$0xf] =	wrdreg s31  }
0x4d: {  	[dreg:$0xc] =	wrdreg s24  }
0x4e: {  	[dreg:$0xa] =	wrdreg s23  }
0x4f: {  	[dreg:$0x8] =	wrdreg s22  }
0x50: {  	[dreg:$0x7] =	wrdreg s21  }
0x51: {  	[dreg:$0x6] =	wrdreg s20;
	s15 =	sadd.s32 $0xFFFFFFD0, s28;
	s19 =	sadd.s32 $0xFFFFE880, s14  }
0x52: {  	s0 =	sand.u32 $0x60, s0;
	[dreg:$0x9] =	wrdreg s15;
	s22 =	spop (v2sf)  }
0x53: {  	s15 =	sand.u32 $0x1C0, s15;
	s20 =	sand.u32 $0x1FFFFFF0, s22;
	s23 =	spop (v2sf);
	(v2sf) =	vpush v0, $0x9  }
0x54: {  	s20 =	sadd.s32 s3, s20;
	s21 =	sand.u32 $0x1FFFFFF0, s23;
	s24 =	spop (v2sf)  }
0x55: {  	(v2sf) =	vpush v0, $0xA;
	[tilespmem:s19], [sflag:$0x1] =	stream.linear.gather [hbm4b:s20+s2], $0x80, $0x38;
	[tilespmem:$0x10200] =	vst v63  }
0x56: {  	s21 =	sadd.s32 s3, s21;
	s23 =	sand.u32 $0x1FFFFFF0, s24;
	s24 =	spop (v2sf)  }
0x57: {  	(v2sf) =	vpush v0, $0xB;
	[tilespmem:s18], [sflag:$0x2] =	stream.linear.gather [hbm4b:s21+s2], $0x80, $0x38;
	[tilespmem:$0x10200] =	vst v63  }
0x58: {  	s22 =	sadd.s32 s3, s23;
	s23 =	sand.u32 $0x1FFFFFF0, s24;
	s24 =	spop (v2sf)  }
0x59: {  	(v2sf) =	vpush v0, $0xC;
	[tilespmem:s17], [sflag:$0x3] =	stream.linear.gather [hbm4b:s22+s2], $0x80, $0x38;
	[tilespmem:$0x10200] =	vst v63  }
0x5a: {  	s19 =	sadd.s32 s3, s23;
	s20 =	sand.u32 $0x1FFFFFF0, s24;
	s21 =	spop (v2sf)  }
0x5b: {  	(v2sf) =	vpush v0, $0xD;
	[tilespmem:s16], [sflag:$0x4] =	stream.linear.gather [hbm4b:s19+s2], $0x80, $0x38;
	[tilespmem:$0x10200] =	vst v63  }
0x5c: {  	s23 =	sand.u32 $0x1FFFFFF0, s21;
	s24 =	spop (v2sf);
	s22 =	sadd.s32 s3, s20  }
0x5d: {  	(v2sf) =	vpush v0, $0xE;
	[tilespmem:s13], [sflag:$0x1] =	stream.linear.gather [hbm4b:s22+s2], $0x80, $0x38;
	[tilespmem:$0x10200] =	vst v63  }
0x5e: {  	s17 =	sand.u32 $0x1FFFFFF0, s24;
	s18 =	spop (v2sf);
	s16 =	sadd.s32 s3, s23  }
0x5f: {  	(v2sf) =	vpush v0, $0xF;
	[tilespmem:s12], [sflag:$0x2] =	stream.linear.gather [hbm4b:s16+s2], $0x80, $0x38;
	[tilespmem:$0x10200] =	vst v63  }
0x60: {  	s20 =	sand.u32 $0x1FFFFFF0, s18;
	s21 =	spop (v2sf);
	s19 =	sadd.s32 s3, s17  }
0x61: {  	[tilespmem:s11], [sflag:$0x3] =	stream.linear.gather [hbm4b:s19+s2], $0x80, $0x38;
	[tilespmem:$0x10200] =	vst v63  }
0x62: {  	s23 =	sand.u32 $0x1FFFFFF0, s21;
	s22 =	sadd.s32 s3, s20;
	s24 =	spop (v2sf)  }
0x63: {  	[tilespmem:s10], [sflag:$0x4] =	stream.linear.gather [hbm4b:s22+s2], $0x80, $0x38;
	[tilespmem:$0x10200] =	vst v63  }
0x64: {  	s11 =	sadd.s32 s3, s23;
	s12 =	sand.u32 $0x1FFFFFF0, s24;
	s13 =	spop (v2sf)  }
0x65: {  	[tilespmem:s9], [sflag:$0x1] =	stream.linear.gather [hbm4b:s11+s2], $0x80, $0x38;
	[tilespmem:$0x10200] =	vst v63  }
0x66: {  	s16 =	sadd.s32 s3, s12;
	s17 =	sand.u32 $0x1FFFFFF0, s13;
	s18 =	spop (v2sf);
	v0 =	vld [tilespmem:s15+$0x0]  }
0x67: {  	[tilespmem:s8], [sflag:$0x2] =	stream.linear.gather [hbm4b:s16+s2], $0x80, $0x38;
	[tilespmem:$0x10200] =	vst v63  }
0x68: {  	s19 =	sadd.s32 s3, s17;
	s20 =	sand.u32 $0x1FFFFFF0, s18;
	s21 =	spop (v2sf)  }
0x69: {  	[tilespmem:s7], [sflag:$0x3] =	stream.linear.gather [hbm4b:s19+s2], $0x80, $0x38;
	[tilespmem:$0x10200] =	vst v63  }
0x6a: {  	s22 =	sadd.s32 s3, s20;
	s23 =	sand.u32 $0x1FFFFFF0, s21;
	s24 =	spop (v2sf)  }
0x6b: {  	v0 =	vshll.u32 v0, $0x4;
	[tilespmem:s6], [sflag:$0x4] =	stream.linear.gather [hbm4b:s22+s2], $0x80, $0x38;
	[tilespmem:$0x10200] =	vst v63  }
0x6c: {  	s10 =	sadd.s32 s3, s23;
	s11 =	sand.u32 $0x1FFFFFF0, s24;
	s12 =	spop (v2sf);
	(v2sf) =	vpush v0, $0x0  }
0x6d: {  	(v2sf) =	vpush v0, $0x1;
	[tilespmem:s5], [sflag:$0x1] =	stream.linear.gather [hbm4b:s10+s2], $0x80, $0x38;
	[tilespmem:$0x10200] =	vst v63  }
0x6e: {  	s13 =	sadd.s32 s3, s11;
	s15 =	sand.u32 $0x1FFFFFF0, s12;
	s16 =	spop (v2sf);
	(v2sf) =	vpush v0, $0x2  }
0x6f: {  	[tilespmem:s4], [sflag:$0x2] =	stream.linear.gather [hbm4b:s13+s2], $0x80, $0x38;
	[tilespmem:$0x10200] =	vst v63  }
0x70: {  	s25 =	sadd.s32 $0x4, s25;
	s17 =	sadd.s32 s3, s15;
	s18 =	sand.u32 $0x1FFFFFF0, s16;
	(v2sf) =	vpush v0, $0x3  }
0x71: {  	[tilespmem:s1], [sflag:$0x3] =	stream.linear.gather [hbm4b:s17+s2], $0x80, $0x38;
	[tilespmem:$0x10200] =	vst v63  }
0x72: {  	s0 =	sor.u32 s0, s29;
	s19 =	sadd.s32 $0xFFFFF000, s14;
	s20 =	sadd.s32 s3, s18;
	(v2sf) =	vpush v0, $0x4  }
0x73: {  	[tilespmem:s19], [sflag:$0x4] =	stream.linear.gather [hbm4b:s20+s2], $0x80, $0x38;
	[tilespmem:$0x10200] =	vst v63  }
0x74: {  	s30 =	sand.u32 $0x70, s30;
	p0 =	slt.u32 s25, $0x1C;
	s21 =	sadd.s32 $0xFFFFF980, s14;
	(v2sf) =	vpush v0, $0x5;
	v1 =	vld [tilespmem:s0+$0x0]  }
0x75: {  	s9 =	sadd.s32 $0xFFFFF700, s14;
	[dreg:$0xe] =	wrdreg s21;
	s23 =	sadd.s32 $0xFFFFFA80, s14  }
0x76: {  	s8 =	sadd.s32 $0xFFFFE200, s26;
	s21 =	sadd.s32 $0xFFFFF200, s14;
	[dreg:$0xb] =	wrdreg s23  }
0x77: {  	s12 =	sadd.s32 $0xFFFFF900, s14;
	s11 =	sadd.s32 $0xFFFFF680, s14;
	s23 =	sadd.s32 $0xFFFFE180, s26  }
0x78: {  	s7 =	sadd.s32 $0xFFFFF600, s14;
	s16 =	sadd.s32 $0xFFFFF480, s14;
	s15 =	sadd.s32 $0xFFFFF500, s14  }
0x79: {  	s18 =	sadd.s32 $0xFFFFF380, s14;
	s22 =	sadd.s32 $0xFFFFFA00, s14;
	s6 =	sadd.s32 $0xFFFFF780, s14;
	v1 =	vshll.u32 v1, $0x4  }
0x7a: {  	[dreg:$0xd] =	wrdreg s22;
	s22 =	sadd.s32 $0xFFFFF180, s14;
	s5 =	sadd.s32 $0xFFFFF800, s14;
	(v2sf) =	vpush v1, $0x0  }
0x7b: {  	s10 =	sadd.s32 $0xFFFFE100, s26;
	s4 =	sadd.s32 $0xFFFFF880, s14;
	s24 =	spop (v2sf);
	(v2sf) =	vpush v1, $0x1  }
0x7c: {  	s1 =	sadd.s32 $0xFFFFE080, s26;
	s0 =	sand.u32 $0x1FFFFFF0, s24;
	s24 =	spop (v2sf);
	(v2sf) =	vpush v1, $0x2  }
0x7d: {  	s0 =	sadd.s32 s3, s0;
	s24 =	sand.u32 $0x1FFFFFF0, s24;
	s31 =	spop (v2sf)  }
0x7e: {  	(v2sf) =	vpush v1, $0x3;
	[tilespmem:s1], [sflag:$0x1] =	stream.linear.gather [hbm4b:s0+s2], $0x80, $0x38;
	[tilespmem:$0x10200] =	vst v63  }
0x7f: {  	s0 =	sadd.s32 s3, s24;
	s1 =	sand.u32 $0x1FFFFFF0, s31;
	s24 =	spop (v2sf)  }
0x80: {  	(v2sf) =	vpush v1, $0x4;
	[tilespmem:s10], [sflag:$0x2] =	stream.linear.gather [hbm4b:s0+s2], $0x80, $0x38;
	[tilespmem:$0x10200] =	vst v63  }
0x81: {  	s1 =	sadd.s32 s3, s1;
	s10 =	sand.u32 $0x1FFFFFF0, s24;
	s24 =	spop (v2sf)  }
0x82: {  	(v2sf) =	vpush v1, $0x5;
	[tilespmem:s23], [sflag:$0x3] =	stream.linear.gather [hbm4b:s1+s2], $0x80, $0x38;
	[tilespmem:$0x10200] =	vst v63  }
0x83: {  	s1 =	sadd.s32 s3, s10;
	s10 =	sand.u32 $0x1FFFFFF0, s24;
	s24 =	spop (v2sf)  }
0x84: {  	(v2sf) =	vpush v1, $0x6;
	[tilespmem:s8], [sflag:$0x4] =	stream.linear.gather [hbm4b:s1+s2], $0x80, $0x38;
	[tilespmem:$0x10200] =	vst v63  }
0x85: {  	s23 =	sadd.s32 $0xFFFFE280, s26;
	s24 =	sand.u32 $0x1FFFFFF0, s24;
	s1 =	sadd.s32 s3, s10  }
0x86: {  	[tilespmem:s23], [sflag:$0x1] =	stream.linear.gather [hbm4b:s1+s2], $0x80, $0x38;
	[tilespmem:$0x10200] =	vst v63  }
0x87: {  	s13 =	sadd.s32 $0xFFFFF580, s14;
	(v2sf) =	vpush v1, $0x7;
	s10 =	sadd.s32 s3, s24;
	s1 =	sadd.s32 $0xFFFFE300, s26  }
0x88: {  	[tilespmem:s1], [sflag:$0x2] =	stream.linear.gather [hbm4b:s10+s2], $0x80, $0x38;
	[tilespmem:$0x10200] =	vst v63  }
0x89: {  	s17 =	sadd.s32 $0xFFFFF400, s14;
	s0 =	sadd.s32 $0xFFFFF080, s14;
	(v2sf) =	vpush v1, $0x8;
	s24 =	spop (v2sf)  }
0x8a: {  	s23 =	sadd.s32 $0xFFFFF100, s14;
	s1 =	sand.u32 $0x1FFFFFF0, s24;
	s24 =	spop (v2sf)  }
0x8b: {  	(v2sf) =	vpush v1, $0x9;
	s1 =	sadd.s32 s3, s1;
	s24 =	sand.u32 $0x1FFFFFF0, s24;
	s31 =	spop (v2sf)  }
0x8c: {  	[tilespmem:s0], [sflag:$0x1] =	stream.linear.gather [hbm4b:s1+s2], $0x80, $0x38;
	[tilespmem:$0x10200] =	vst v63  }
0x8d: {  	(v2sf) =	vpush v1, $0xA;
	s0 =	sadd.s32 s3, s24;
	s1 =	sand.u32 $0x1FFFFFF0, s31;
	s24 =	spop (v2sf)  }
0x8e: {  	[tilespmem:s23], [sflag:$0x2] =	stream.linear.gather [hbm4b:s0+s2], $0x80, $0x38;
	[tilespmem:$0x10200] =	vst v63  }
0x8f: {  	s1 =	sadd.s32 s3, s1;
	s23 =	sand.u32 $0x1FFFFFF0, s24;
	s24 =	spop (v2sf)  }
0x90: {  	[tilespmem:s22], [sflag:$0x3] =	stream.linear.gather [hbm4b:s1+s2], $0x80, $0x38;
	[tilespmem:$0x10200] =	vst v63  }
0x91: {  	s22 =	sadd.s32 s3, s23;
	s23 =	sand.u32 $0x1FFFFFF0, s24;
	s24 =	spop (v2sf);
	(v2sf) =	vpush v1, $0xB  }
0x92: {  	[tilespmem:s21], [sflag:$0x4] =	stream.linear.gather [hbm4b:s22+s2], $0x80, $0x38;
	[tilespmem:$0x10200] =	vst v63  }
0x93: {  	s21 =	sadd.s32 s3, s23;
	s23 =	sand.u32 $0x1FFFFFF0, s24;
	s24 =	spop (v2sf);
	(v2sf) =	vpush v1, $0xC  }
0x94: {  	s20 =	sadd.s32 $0xFFFFF280, s14;
	s19 =	sadd.s32 $0xFFFFF300, s14;
	s8 =	sadd.s32 $0xFFFFE700, s26;
	(v2sf) =	vpush v1, $0xD  }
0x95: {  	[tilespmem:s20], [sflag:$0x1] =	stream.linear.gather [hbm4b:s21+s2], $0x80, $0x38;
	[tilespmem:$0x10200] =	vst v63  }
0x96: {  	s22 =	sadd.s32 s3, s23;
	s23 =	sand.u32 $0x1FFFFFF0, s24;
	s24 =	spop (v2sf);
	(v2sf) =	vpush v1, $0xE  }
0x97: {  	[tilespmem:s19], [sflag:$0x2] =	stream.linear.gather [hbm4b:s22+s2], $0x80, $0x38;
	[tilespmem:$0x10200] =	vst v63  }
0x98: {  	s20 =	sand.u32 $0x1FFFFFF0, s24;
	s21 =	spop (v2sf);
	(v2sf) =	vpush v1, $0xF;
	s19 =	sadd.s32 s3, s23  }
0x99: {  	[tilespmem:s18], [sflag:$0x3] =	stream.linear.gather [hbm4b:s19+s2], $0x80, $0x38;
	[tilespmem:$0x10200] =	vst v63  }
0x9a: {  	s22 =	sadd.s32 s3, s20;
	s23 =	sand.u32 $0x1FFFFFF0, s21;
	s24 =	spop (v2sf)  }
0x9b: {  	[tilespmem:s17], [sflag:$0x4] =	stream.linear.gather [hbm4b:s22+s2], $0x80, $0x38;
	[tilespmem:$0x10200] =	vst v63  }
0x9c: {  	s1 =	sadd.s32 s3, s23;
	s17 =	sand.u32 $0x1FFFFFF0, s24;
	s18 =	spop (v2sf);
	(v2sf) =	vpush v0, $0x6  }
0x9d: {  	[tilespmem:s16], [sflag:$0x1] =	stream.linear.gather [hbm4b:s1+s2], $0x80, $0x38;
	[tilespmem:$0x10200] =	vst v63  }
0x9e: {  	s10 =	sadd.s32 $0xFFFFE680, s26;
	s19 =	sadd.s32 s3, s17;
	s20 =	sand.u32 $0x1FFFFFF0, s18;
	(v2sf) =	vpush v0, $0x7  }
0x9f: {  	(v2sf) =	vpush v0, $0x8;
	[tilespmem:s15], [sflag:$0x2] =	stream.linear.gather [hbm4b:s19+s2], $0x80, $0x38;
	[tilespmem:$0x10200] =	vst v63  }
0xa0: {  	s17 =	sadd.s32 $0xFFFFE500, s26;
	s21 =	sadd.s32 s3, s20;
	s22 =	spop (v2sf)  }
0xa1: {  	(v2sf) =	vpush v0, $0x9;
	[tilespmem:s13], [sflag:$0x3] =	stream.linear.gather [hbm4b:s21+s2], $0x80, $0x38;
	[tilespmem:$0x10200] =	vst v63  }
0xa2: {  	s13 =	sadd.s32 $0xFFFFE480, s26;
	s0 =	sand.u32 $0x1FFFFFF0, s22;
	s23 =	spop (v2sf)  }
0xa3: {  	(v2sf) =	vpush v0, $0xA;
	s0 =	sadd.s32 s3, s0;
	s1 =	sand.u32 $0x1FFFFFF0, s23;
	s24 =	spop (v2sf)  }
0xa4: {  	[tilespmem:s7], [sflag:$0x4] =	stream.linear.gather [hbm4b:s0+s2], $0x80, $0x38;
	[tilespmem:$0x10200] =	vst v63  }
0xa5: {  	(v2sf) =	vpush v0, $0xB;
	s1 =	sadd.s32 s3, s1;
	s7 =	sand.u32 $0x1FFFFFF0, s24;
	s18 =	spop (v2sf)  }
0xa6: {  	[tilespmem:s11], [sflag:$0x1] =	stream.linear.gather [hbm4b:s1+s2], $0x80, $0x38;
	[tilespmem:$0x10200] =	vst v63  }
0xa7: {  	s19 =	sadd.s32 s3, s7;
	s20 =	sand.u32 $0x1FFFFFF0, s18;
	s21 =	spop (v2sf)  }
0xa8: {  	(v2sf) =	vpush v0, $0xC;
	[tilespmem:s9], [sflag:$0x2] =	stream.linear.gather [hbm4b:s19+s2], $0x80, $0x38;
	[tilespmem:$0x10200] =	vst v63  }
0xa9: {  	s0 =	sadd.s32 $0xFFFFE400, s26;
	s1 =	sadd.s32 s3, s20;
	s7 =	sand.u32 $0x1FFFFFF0, s21  }
0xaa: {  	(v2sf) =	vpush v0, $0xD;
	[tilespmem:s6], [sflag:$0x3] =	stream.linear.gather [hbm4b:s1+s2], $0x80, $0x38;
	[tilespmem:$0x10200] =	vst v63  }
0xab: {  	s24 =	sor.u32 s30, s29;
	s23 =	sadd.s32 s3, s7;
	s22 =	spop (v2sf)  }
0xac: {  	(v2sf) =	vpush v0, $0xE;
	[tilespmem:s5], [sflag:$0x4] =	stream.linear.gather [hbm4b:s23+s2], $0x80, $0x38;
	[tilespmem:$0x10200] =	vst v63  }
0xad: {  	s9 =	sadd.s32 $0xFFFFE380, s26;
	s1 =	sand.u32 $0x1FFFFFF0, s22;
	s11 =	spop (v2sf)  }
0xae: {  	(v2sf) =	vpush v0, $0xF;
	v0 =	vld [tilespmem:s24+$0x0];
	s1 =	sadd.s32 s3, s1;
	s6 =	sand.u32 $0x1FFFFFF0, s11;
	s18 =	spop (v2sf)  }
0xaf: {  	[tilespmem:s9], [sflag:$0x3] =	stream.linear.gather [hbm4b:s1+s2], $0x80, $0x38;
	[tilespmem:$0x10200] =	vst v63  }
0xb0: {  	s19 =	sadd.s32 s3, s6;
	s20 =	sand.u32 $0x1FFFFFF0, s18;
	s21 =	spop (v2sf)  }
0xb1: {  	[tilespmem:s0], [sflag:$0x4] =	stream.linear.gather [hbm4b:s19+s2], $0x80, $0x38;
	[tilespmem:$0x10200] =	vst v63  }
0xb2: {  	s22 =	sadd.s32 s3, s20;
	s23 =	sand.u32 $0x1FFFFFF0, s21;
	s24 =	spop (v2sf)  }
0xb3: {  	v0 =	vshll.u32 v0, $0x4;
	[tilespmem:s13], [sflag:$0x1] =	stream.linear.gather [hbm4b:s22+s2], $0x80, $0x38;
	[tilespmem:$0x10200] =	vst v63  }
0xb4: {  	s1 =	sadd.s32 s3, s23;
	(v2sf) =	vpush v0, $0x0;
	s6 =	sand.u32 $0x1FFFFFF0, s24;
	s7 =	spop (v2sf)  }
0xb5: {  	(v2sf) =	vpush v0, $0x1;
	[tilespmem:s17], [sflag:$0x2] =	stream.linear.gather [hbm4b:s1+s2], $0x80, $0x38;
	[tilespmem:$0x10200] =	vst v63  }
0xb6: {  	s16 =	sadd.s32 $0xFFFFE600, s26;
	s15 =	sadd.s32 $0xFFFFE580, s26;
	s9 =	sadd.s32 s3, s6  }
0xb7: {  	s11 =	sand.u32 $0x1FFFFFF0, s7;
	s13 =	spop (v2sf);
	s6 =	sadd.s32 $0xFFFFE780, s26  }
0xb8: {  	(v2sf) =	vpush v0, $0x2;
	[tilespmem:s15], [sflag:$0x3] =	stream.linear.gather [hbm4b:s9+s2], $0x80, $0x38;
	[tilespmem:$0x10200] =	vst v63  }
0xb9: {  	s17 =	sand.u32 $0x1FFFFFF0, s13;
	s18 =	spop (v2sf);
	(v2sf) =	vpush v0, $0x3;
	s15 =	sadd.s32 s3, s11  }
0xba: {  	(v2sf) =	vpush v0, $0x4;
	[tilespmem:s16], [sflag:$0x4] =	stream.linear.gather [hbm4b:s15+s2], $0x80, $0x38;
	[tilespmem:$0x10200] =	vst v63  }
0xbb: {  	s19 =	sadd.s32 s3, s17;
	s20 =	sand.u32 $0x1FFFFFF0, s18;
	s21 =	spop (v2sf)  }
0xbc: {  	[tilespmem:s10], [sflag:$0x1] =	stream.linear.gather [hbm4b:s19+s2], $0x80, $0x38;
	[tilespmem:$0x10200] =	vst v63  }
0xbd: {  	s22 =	sadd.s32 s3, s20;
	s23 =	sand.u32 $0x1FFFFFF0, s21;
	s24 =	spop (v2sf)  }
0xbe: {  	(v2sf) =	vpush v0, $0x5;
	[tilespmem:s8], [sflag:$0x2] =	stream.linear.gather [hbm4b:s22+s2], $0x80, $0x38;
	[tilespmem:$0x10200] =	vst v63  }
0xbf: {  	s7 =	sadd.s32 $0xFFFFE800, s26;
	(v2sf) =	vpush v0, $0x6;
	s1 =	sadd.s32 s3, s23;
	s5 =	sand.u32 $0x1FFFFFF0, s24  }
0xc0: {  	[tilespmem:s6], [sflag:$0x3] =	stream.linear.gather [hbm4b:s1+s2], $0x80, $0x38;
	[tilespmem:$0x10200] =	vst v63  }
0xc1: {  	s9 =	sadd.s32 $0xFFFFFFE0, s28;
	s10 =	rddreg [dreg:$0x9];
	(v2sf) =	vpush v0, $0x7;
	s8 =	sadd.s32 s3, s5  }
0xc2: {  	[tilespmem:s7], [sflag:$0x4] =	stream.linear.gather [hbm4b:s8+s2], $0x80, $0x38;
	[tilespmem:$0x10200] =	vst v63  }
0xc3: {  	s11 =	sand.u32 $0x50, s9;
	s29 =	sand.u32 $0x180, s10;
	s13 =	spop (v2sf)  }
0xc4: {  	s24 =	rddreg [dreg:$0xe];
	s15 =	sand.u32 $0x1FFFFFF0, s13;
	s16 =	spop (v2sf)  }
0xc5: {  	(v2sf) =	vpush v0, $0x8;
	s5 =	sor.u32 s11, s29;
	s0 =	sadd.s32 s3, s15;
	s1 =	sand.u32 $0x1FFFFFF0, s16  }
0xc6: {  	[tilespmem:s4], [sflag:$0x1] =	stream.linear.gather [hbm4b:s0+s2], $0x80, $0x38;
	[tilespmem:$0x10200] =	vst v63  }
0xc7: {  	s8 =	rddreg [dreg:$0xd];
	(v2sf) =	vpush v0, $0x9;
	s17 =	spop (v2sf);
	s18 =	sadd.s32 s3, s1  }
0xc8: {  	s19 =	sand.u32 $0x1FFFFFF0, s17;
	s20 =	spop (v2sf);
	s17 =	rddreg [dreg:$0x5]  }
0xc9: {  	(v2sf) =	vpush v0, $0xA;
	s21 =	sadd.s32 s3, s19;
	s22 =	sand.u32 $0x1FFFFFF0, s20;
	s23 =	spop (v2sf)  }
0xca: {  	[tilespmem:s12], [sflag:$0x2] =	stream.linear.gather [hbm4b:s18+s2], $0x80, $0x38;
	[tilespmem:$0x10200] =	vst v63  }
0xcb: {  	s1 =	sadd.s32 s3, s22;
	s4 =	sand.u32 $0x1FFFFFF0, s23;
	s12 =	rddreg [dreg:$0xb]  }
0xcc: {  	(v2sf) =	vpush v0, $0xB;
	[tilespmem:s24], [sflag:$0x3] =	stream.linear.gather [hbm4b:s21+s2], $0x80, $0x38;
	[tilespmem:$0x10200] =	vst v63  }
0xcd: {  	s9 =	sadd.s32 s3, s4;
	s7 =	spop (v2sf);
	s21 =	rddreg [dreg:$0x4]  }
0xce: {  	(v2sf) =	vpush v0, $0xC;
	s10 =	sand.u32 $0x1FFFFFF0, s7;
	s11 =	spop (v2sf);
	s7 =	rddreg [dreg:$0x3]  }
0xcf: {  	[tilespmem:s8], [sflag:$0x4] =	stream.linear.gather [hbm4b:s1+s2], $0x80, $0x38;
	[tilespmem:$0x10200] =	vst v63  }
0xd0: {  	(v2sf) =	vpush v0, $0xD;
	s13 =	sadd.s32 s3, s10;
	s15 =	sand.u32 $0x1FFFFFF0, s11;
	s16 =	spop (v2sf)  }
0xd1: {  	[tilespmem:s12], [sflag:$0x1] =	stream.linear.gather [hbm4b:s9+s2], $0x80, $0x38;
	[tilespmem:$0x10200] =	vst v63  }
0xd2: {  	(v2sf) =	vpush v0, $0xE;
	s11 =	rddreg [dreg:$0xf];
	s18 =	sadd.s32 s3, s15;
	s19 =	sand.u32 $0x1FFFFFF0, s16  }
0xd3: {  	[tilespmem:s17], [sflag:$0x2] =	stream.linear.gather [hbm4b:s13+s2], $0x80, $0x38;
	[tilespmem:$0x10200] =	vst v63  }
0xd4: {  	(v2sf) =	vpush v0, $0xF;
	s20 =	spop (v2sf);
	s16 =	rddreg [dreg:$0xc];
	s22 =	sadd.s32 s3, s19  }
0xd5: {  	[tilespmem:s21], [sflag:$0x3] =	stream.linear.gather [hbm4b:s18+s2], $0x80, $0x38;
	[tilespmem:$0x10200] =	vst v63  }
0xd6: {  	s23 =	sand.u32 $0x1FFFFFF0, s20;
	s20 =	rddreg [dreg:$0xa];
	s24 =	spop (v2sf)  }
0xd7: {  	[tilespmem:s7], [sflag:$0x4] =	stream.linear.gather [hbm4b:s22+s2], $0x80, $0x38;
	[tilespmem:$0x10200] =	vst v63  }
0xd8: {  	s8 =	sadd.s32 s3, s23;
	s9 =	sand.u32 $0x1FFFFFF0, s24;
	s10 =	spop (v2sf)  }
0xd9: {  	s24 =	rddreg [dreg:$0x8];
	s12 =	sadd.s32 s3, s9;
	s13 =	sand.u32 $0x1FFFFFF0, s10  }
0xda: {  	[tilespmem:s11], [sflag:$0x1] =	stream.linear.gather [hbm4b:s8+s2], $0x80, $0x38;
	[tilespmem:$0x10200] =	vst v63  }
0xdb: {  	s15 =	spop (v2sf);
	s9 =	rddreg [dreg:$0x7];
	s17 =	sadd.s32 s3, s13  }
0xdc: {  	[tilespmem:s16], [sflag:$0x2] =	stream.linear.gather [hbm4b:s12+s2], $0x80, $0x38;
	[tilespmem:$0x10200] =	vst v63  }
0xdd: {  	s18 =	sand.u32 $0x1FFFFFF0, s15;
	s19 =	spop (v2sf);
	s13 =	rddreg [dreg:$0x6]  }
0xde: {  	v0 =	vld [tilespmem:s5+$0x0];
	[tilespmem:s20], [sflag:$0x3] =	stream.linear.gather [hbm4b:s17+s2], $0x80, $0x38  }
0xdf: {  	s21 =	sadd.s32 s3, s18;
	s22 =	sand.u32 $0x1FFFFFF0, s19;
	s23 =	spop (v2sf)  }
0xe0: {  	[tilespmem:s24], [sflag:$0x4] =	stream.linear.gather [hbm4b:s21+s2], $0x80, $0x38;
	[tilespmem:$0x10200] =	vst v63  }
0xe1: {  	s6 =	sadd.s32 s3, s22;
	s7 =	sand.u32 $0x1FFFFFF0, s23;
	s8 =	spop (v2sf)  }
0xe2: {  	[tilespmem:s9], [sflag:$0x1] =	stream.linear.gather [hbm4b:s6+s2], $0x80, $0x38;
	[tilespmem:$0x10200] =	vst v63  }
0xe3: {  	s10 =	sadd.s32 s3, s7;
	s11 =	sand.u32 $0x1FFFFFF0, s8;
	s12 =	spop (v2sf)  }
0xe4: {  	[tilespmem:s13], [sflag:$0x2] =	stream.linear.gather [hbm4b:s10+s2], $0x80, $0x38;
	[tilespmem:$0x10200] =	vst v63  }
0xe5: {  	s15 =	sadd.s32 $0xFFFFFF80, s14;
	s1 =	sadd.s32 s3, s11;
	s4 =	sand.u32 $0x1FFFFFF0, s12  }
0xe6: {  	[tilespmem:s15], [sflag:$0x3] =	stream.linear.gather [hbm4b:s1+s2], $0x80, $0x38;
	[tilespmem:$0x10200] =	vst v63  }
0xe7: {  	s30 =	smov.u32 s28;
	s28 =	sadd.s32 $0x40, s28;
	s16 =	sadd.s32 s3, s4  }
0xe8: {  	[tilespmem:s14], [sflag:$0x4] =	stream.linear.gather [hbm4b:s16+s2], $0x80, $0x38;
	[tilespmem:$0x10200] =	vst v63  }
0xe9: {  	s0 =	sadd.s32 $0xFFFFFFF0, s30;
	v0 =	vshll.u32 v0, $0x4;
	s14 =	smov.u32 s26;
	s26 =	sadd.s32 $0x2000, s26  }
0xea: {  	(v2sf) =	vpush v0, $0x0;
	s22 =	sadd.s32 $0xFFFFFE00, s14;
	s21 =	sadd.s32 $0xFFFFFE80, s14;
	s20 =	sadd.s32 $0xFFFFFF00, s14  }
0xeb: {  	(v2sf) =	vpush v0, $0x1;
	s31 =	sadd.s32 $0xFFFFFC80, s14;
	s24 =	sadd.s32 $0xFFFFFD00, s14;
	s23 =	sadd.s32 $0xFFFFFD80, s14  }
0xec: {  	(v2sf) =	vpush v0, $0x2;
	s17 =	sadd.s32 $0xFFFFFB00, s14;
	s18 =	sadd.s32 $0xFFFFFB80, s14;
	s19 =	sadd.s32 $0xFFFFFC00, s14  }
0xed: {  	(v2sf) =	vpush v0, $0x3;
	s4 =	sadd.s32 $0xFFFFEF00, s14;
	s1 =	sadd.s32 $0xFFFFEF80, s14;
	s7 =	sadd.s32 $0xFFFFED80, s14  }
.Ltmp0:
0xee: {  	(v2sf) =	vpush v0, $0x4;
	s6 =	sadd.s32 $0xFFFFEE00, s14;
	s5 =	sadd.s32 $0xFFFFEE80, s14;
	(pc) =	sbr.rel @p0 .LBB2_2-.Ltmp0, $4  }
0xef: {  	(v2sf) =	vpush v0, $0x5;
	s10 =	sadd.s32 $0xFFFFEC00, s14;
	s9 =	sadd.s32 $0xFFFFEC80, s14;
	s8 =	sadd.s32 $0xFFFFED00, s14  }
0xf0: {  	(v2sf) =	vpush v0, $0x6;
	s13 =	sadd.s32 $0xFFFFEA80, s14;
	s12 =	sadd.s32 $0xFFFFEB00, s14;
	[dreg:$0x5] =	wrdreg s17  }
0xf1: {  	s11 =	sadd.s32 $0xFFFFEB80, s14;
	s16 =	sadd.s32 $0xFFFFEA00, s14;
	[dreg:$0x4] =	wrdreg s18;
	(v2sf) =	vpush v0, $0x7  }
0xf2: {  	[dreg:$0x3] =	wrdreg s19;
	s18 =	sadd.s32 $0xFFFFE900, s14;
	s17 =	sadd.s32 $0xFFFFE980, s14;
	(v2sf) =	vpush v0, $0x8  }
0xf3: {  	_ =	sdelay $0x5  }
0xf4: {  	s15 =	spop (v2sf)  }
0xf5: {  	s15 =	sand.u32 $0x1FFFFFF0, s15  }
0xf6: {  	s19 =	sadd.s32 $0xFFFFE880, s14;
	s28 =	spop (v2sf);
	s15 =	sadd.s32 s3, s15  }
0xf7: {  	[tilespmem:s19], [sflag:$0x1] =	stream.linear.gather [hbm4b:s15+s2], $0x80, $0x38;
	[tilespmem:$0x10200] =	vst v63  }
0xf8: {  	s15 =	sand.u32 $0x1FFFFFF0, s28  }
0xf9: {  	s19 =	spop (v2sf);
	s15 =	sadd.s32 s3, s15  }
0xfa: {  	[tilespmem:s18], [sflag:$0x2] =	stream.linear.gather [hbm4b:s15+s2], $0x80, $0x38;
	[tilespmem:$0x10200] =	vst v63  }
0xfb: {  	s15 =	sand.u32 $0x1FFFFFF0, s19  }
0xfc: {  	s25 =	spop (v2sf);
	s15 =	sadd.s32 s3, s15  }
0xfd: {  	[tilespmem:s17], [sflag:$0x3] =	stream.linear.gather [hbm4b:s15+s2], $0x80, $0x38;
	[tilespmem:$0x10200] =	vst v63  }
0xfe: {  	s15 =	sand.u32 $0x1FFFFFF0, s25  }
0xff: {  	(v2sf) =	vpush v0, $0x9;
	s26 =	spop (v2sf);
	s15 =	sadd.s32 s3, s15  }
0x100: {  	(v2sf) =	vpush v0, $0xA;
	[tilespmem:s16], [sflag:$0x4] =	stream.linear.gather [hbm4b:s15+s2], $0x80, $0x38;
	[tilespmem:$0x10200] =	vst v63  }
0x101: {  	s15 =	sand.u32 $0x1FFFFFF0, s26  }
0x102: {  	s28 =	spop (v2sf);
	s15 =	sadd.s32 s3, s15  }
0x103: {  	[tilespmem:s13], [sflag:$0x1] =	stream.linear.gather [hbm4b:s15+s2], $0x80, $0x38;
	[tilespmem:$0x10200] =	vst v63  }
0x104: {  	s13 =	sand.u32 $0x1FFFFFF0, s28  }
0x105: {  	s13 =	sadd.s32 s3, s13  }
0x106: {  	(v2sf) =	vpush v0, $0xB;
	[tilespmem:s12], [sflag:$0x2] =	stream.linear.gather [hbm4b:s13+s2], $0x80, $0x38;
	[tilespmem:$0x10200] =	vst v63  }
0x107: {  	s13 =	spop (v2sf)  }
0x108: {  	s12 =	sand.u32 $0x1FFFFFF0, s13  }
0x109: {  	(v2sf) =	vpush v0, $0xC;
	s15 =	spop (v2sf);
	s12 =	sadd.s32 s3, s12  }
0x10a: {  	[tilespmem:s11], [sflag:$0x3] =	stream.linear.gather [hbm4b:s12+s2], $0x80, $0x38;
	[tilespmem:$0x10200] =	vst v63  }
0x10b: {  	s11 =	sand.u32 $0x1FFFFFF0, s15  }
0x10c: {  	s16 =	spop (v2sf);
	s11 =	sadd.s32 s3, s11  }
0x10d: {  	[tilespmem:s10], [sflag:$0x4] =	stream.linear.gather [hbm4b:s11+s2], $0x80, $0x38;
	[tilespmem:$0x10200] =	vst v63  }
0x10e: {  	s10 =	sand.u32 $0x1FFFFFF0, s16;
	s17 =	spop (v2sf);
	(v2sf) =	vpush v0, $0xD  }
0x10f: {  	s10 =	sadd.s32 s3, s10;
	s18 =	spop (v2sf)  }
0x110: {  	(v2sf) =	vpush v0, $0xE;
	[tilespmem:s9], [sflag:$0x1] =	stream.linear.gather [hbm4b:s10+s2], $0x80, $0x38;
	[tilespmem:$0x10200] =	vst v63  }
0x111: {  	s9 =	sand.u32 $0x1FFFFFF0, s17  }
0x112: {  	s9 =	sadd.s32 s3, s9  }
0x113: {  	[tilespmem:s8], [sflag:$0x2] =	stream.linear.gather [hbm4b:s9+s2], $0x80, $0x38;
	[tilespmem:$0x10200] =	vst v63  }
0x114: {  	s8 =	sand.u32 $0x1FFFFFF0, s18  }
0x115: {  	s19 =	spop (v2sf);
	(v2sf) =	vpush v0, $0xF;
	s8 =	sadd.s32 s3, s8  }
0x116: {  	[tilespmem:s7], [sflag:$0x3] =	stream.linear.gather [hbm4b:s8+s2], $0x80, $0x38;
	[tilespmem:$0x10200] =	vst v63  }
0x117: {  	s7 =	sand.u32 $0x1FFFFFF0, s19  }
0x118: {  	s25 =	spop (v2sf);
	s7 =	sadd.s32 s3, s7  }
0x119: {  	[tilespmem:s6], [sflag:$0x4] =	stream.linear.gather [hbm4b:s7+s2], $0x80, $0x38;
	[tilespmem:$0x10200] =	vst v63  }
0x11a: {  	s6 =	sand.u32 $0x1FFFFFF0, s25  }
0x11b: {  	s6 =	sadd.s32 s3, s6  }
0x11c: {  	[tilespmem:s5], [sflag:$0x1] =	stream.linear.gather [hbm4b:s6+s2], $0x80, $0x38;
	[tilespmem:$0x10200] =	vst v63  }
0x11d: {  	s26 =	spop (v2sf)  }
0x11e: {  	s5 =	sand.u32 $0x1FFFFFF0, s26  }
0x11f: {  	s28 =	spop (v2sf);
	s5 =	sadd.s32 s3, s5  }
0x120: {  	[tilespmem:s4], [sflag:$0x2] =	stream.linear.gather [hbm4b:s5+s2], $0x80, $0x38;
	[tilespmem:$0x10200] =	vst v63  }
0x121: {  	s4 =	sand.u32 $0x1FFFFFF0, s28  }
0x122: {  	s4 =	sadd.s32 s3, s4  }
0x123: {  	[tilespmem:s1], [sflag:$0x3] =	stream.linear.gather [hbm4b:s4+s2], $0x80, $0x38;
	[tilespmem:$0x10200] =	vst v63  }
0x124: {  	s4 =	spop (v2sf)  }
0x125: {  	s0 =	sand.u32 $0x60, s0;
	s1 =	sand.u32 $0x1FFFFFF0, s4  }
0x126: {  	s0 =	sor.u32 s0, s29;
	s5 =	sadd.s32 $0xFFFFF000, s14;
	s1 =	sadd.s32 s3, s1  }
0x127: {  	[tilespmem:s5], [sflag:$0x4] =	stream.linear.gather [hbm4b:s1+s2], $0x80, $0x38;
	[tilespmem:$0x10200] =	vst v63  }
0x128: {  	v62 =	vld [tilespmem:s0+$0x0];
	_ =	sdelay $0x4  }
0x129: {  	v0 =	vshll.u32 v62, $0x4  }
0x12a: {  	(v2sf) =	vpush v0, $0x0;
	_ =	sdelay $0x1  }
0x12b: {  	(v2sf) =	vpush v0, $0x1;
	_ =	sdelay $0x1  }
0x12c: {  	(v2sf) =	vpush v0, $0x2;
	_ =	sdelay $0x2  }
0x12d: {  	(v2sf) =	vpush v0, $0x3;
	_ =	sdelay $0x7  }
0x12e: {  	s6 =	spop (v2sf);
	(v2sf) =	vpush v0, $0x4;
	_ =	sdelay $0x1  }
0x12f: {  	s8 =	spop (v2sf);
	(v2sf) =	vpush v0, $0x5;
	_ =	sdelay $0x1  }
0x130: {  	s10 =	spop (v2sf);
	(v2sf) =	vpush v0, $0x6;
	_ =	sdelay $0x1  }
0x131: {  	s0 =	sand.u32 $0x1FFFFFF0, s6  }
0x132: {  	s7 =	sadd.s32 $0xFFFFF080, s14;
	s0 =	sadd.s32 s3, s0;
	s12 =	spop (v2sf);
	(v2sf) =	vpush v0, $0x7  }
0x133: {  	[tilespmem:s7], [sflag:$0x1] =	stream.linear.gather [hbm4b:s0+s2], $0x80, $0x38;
	[tilespmem:$0x10200] =	vst v63  }
0x134: {  	s0 =	sand.u32 $0x1FFFFFF0, s8  }
0x135: {  	s9 =	sadd.s32 $0xFFFFF100, s14;
	s0 =	sadd.s32 s3, s0  }
0x136: {  	[tilespmem:s9], [sflag:$0x2] =	stream.linear.gather [hbm4b:s0+s2], $0x80, $0x38;
	[tilespmem:$0x10200] =	vst v63  }
0x137: {  	s0 =	sand.u32 $0x1FFFFFF0, s10  }
0x138: {  	s11 =	sadd.s32 $0xFFFFF180, s14;
	s0 =	sadd.s32 s3, s0  }
0x139: {  	[tilespmem:s11], [sflag:$0x3] =	stream.linear.gather [hbm4b:s0+s2], $0x80, $0x38;
	[tilespmem:$0x10200] =	vst v63  }
0x13a: {  	s15 =	spop (v2sf);
	(v2sf) =	vpush v0, $0x8  }
0x13b: {  	s0 =	sand.u32 $0x1FFFFFF0, s12  }
0x13c: {  	s13 =	sadd.s32 $0xFFFFF200, s14;
	s0 =	sadd.s32 s3, s0;
	s17 =	spop (v2sf);
	(v2sf) =	vpush v0, $0x9  }
0x13d: {  	[tilespmem:s13], [sflag:$0x4] =	stream.linear.gather [hbm4b:s0+s2], $0x80, $0x38;
	[tilespmem:$0x10200] =	vst v63  }
0x13e: {  	s0 =	sand.u32 $0x1FFFFFF0, s15;
	s19 =	spop (v2sf);
	(v2sf) =	vpush v0, $0xA  }
0x13f: {  	s16 =	sadd.s32 $0xFFFFF280, s14;
	s0 =	sadd.s32 s3, s0  }
0x140: {  	[tilespmem:s16], [sflag:$0x1] =	stream.linear.gather [hbm4b:s0+s2], $0x80, $0x38;
	[tilespmem:$0x10200] =	vst v63  }
0x141: {  	s26 =	spop (v2sf);
	(v2sf) =	vpush v0, $0xB  }
0x142: {  	s0 =	sand.u32 $0x1FFFFFF0, s17  }
0x143: {  	s18 =	sadd.s32 $0xFFFFF300, s14;
	s0 =	sadd.s32 s3, s0  }
0x144: {  	[tilespmem:s18], [sflag:$0x2] =	stream.linear.gather [hbm4b:s0+s2], $0x80, $0x38;
	[tilespmem:$0x10200] =	vst v63  }
0x145: {  	s0 =	sand.u32 $0x1FFFFFF0, s19  }
0x146: {  	s25 =	sadd.s32 $0xFFFFF380, s14;
	s0 =	sadd.s32 s3, s0  }
0x147: {  	[tilespmem:s25], [sflag:$0x3] =	stream.linear.gather [hbm4b:s0+s2], $0x80, $0x38;
	[tilespmem:$0x10200] =	vst v63  }
0x148: {  	s0 =	sand.u32 $0x1FFFFFF0, s26  }
0x149: {  	s28 =	sadd.s32 $0xFFFFF400, s14;
	s0 =	sadd.s32 s3, s0;
	s1 =	spop (v2sf);
	(v2sf) =	vpush v0, $0xC  }
0x14a: {  	[tilespmem:s28], [sflag:$0x4] =	stream.linear.gather [hbm4b:s0+s2], $0x80, $0x38;
	[tilespmem:$0x10200] =	vst v63  }
0x14b: {  	s5 =	spop (v2sf);
	(v2sf) =	vpush v0, $0xD  }
0x14c: {  	s0 =	sand.u32 $0x1FFFFFF0, s1  }
0x14d: {  	s4 =	sadd.s32 $0xFFFFF480, s14;
	s0 =	sadd.s32 s3, s0;
	s7 =	spop (v2sf)  }
0x14e: {  	(v2sf) =	vpush v0, $0xE;
	[tilespmem:s4], [sflag:$0x1] =	stream.linear.gather [hbm4b:s0+s2], $0x80, $0x38;
	[tilespmem:$0x10200] =	vst v63  }
0x14f: {  	s0 =	sand.u32 $0x1FFFFFF0, s5  }
0x150: {  	s6 =	sadd.s32 $0xFFFFF500, s14;
	s9 =	spop (v2sf);
	s0 =	sadd.s32 s3, s0  }
0x151: {  	(v2sf) =	vpush v0, $0xF;
	[tilespmem:s6], [sflag:$0x2] =	stream.linear.gather [hbm4b:s0+s2], $0x80, $0x38;
	[tilespmem:$0x10200] =	vst v63  }
0x152: {  	s0 =	sand.u32 $0x1FFFFFF0, s7  }
0x153: {  	s8 =	sadd.s32 $0xFFFFF580, s14;
	s0 =	sadd.s32 s3, s0  }
0x154: {  	[tilespmem:s8], [sflag:$0x3] =	stream.linear.gather [hbm4b:s0+s2], $0x80, $0x38;
	[tilespmem:$0x10200] =	vst v63  }
0x155: {  	s0 =	sand.u32 $0x1FFFFFF0, s9  }
0x156: {  	s10 =	sadd.s32 $0xFFFFF600, s14;
	s0 =	sadd.s32 s3, s0  }
0x157: {  	[tilespmem:s10], [sflag:$0x4] =	stream.linear.gather [hbm4b:s0+s2], $0x80, $0x38;
	[tilespmem:$0x10200] =	vst v63  }
0x158: {  	s11 =	spop (v2sf)  }
0x159: {  	s0 =	sand.u32 $0x1FFFFFF0, s11  }
0x15a: {  	s12 =	sadd.s32 $0xFFFFF680, s14;
	s13 =	spop (v2sf);
	s0 =	sadd.s32 s3, s0  }
0x15b: {  	[tilespmem:s12], [sflag:$0x1] =	stream.linear.gather [hbm4b:s0+s2], $0x80, $0x38;
	[tilespmem:$0x10200] =	vst v63  }
0x15c: {  	s0 =	sand.u32 $0x1FFFFFF0, s13  }
0x15d: {  	s15 =	sadd.s32 $0xFFFFF700, s14;
	s16 =	spop (v2sf);
	s0 =	sadd.s32 s3, s0  }
0x15e: {  	[tilespmem:s15], [sflag:$0x2] =	stream.linear.gather [hbm4b:s0+s2], $0x80, $0x38;
	[tilespmem:$0x10200] =	vst v63  }
0x15f: {  	s0 =	sand.u32 $0x1FFFFFF0, s16  }
0x160: {  	s17 =	sadd.s32 $0xFFFFF780, s14;
	s18 =	spop (v2sf);
	s0 =	sadd.s32 s3, s0  }
0x161: {  	[tilespmem:s17], [sflag:$0x3] =	stream.linear.gather [hbm4b:s0+s2], $0x80, $0x38;
	[tilespmem:$0x10200] =	vst v63  }
0x162: {  	s0 =	sand.u32 $0x1FFFFFF0, s18  }
0x163: {  	s19 =	sadd.s32 $0xFFFFF800, s14;
	s25 =	sand.u32 $0x70, s30;
	s0 =	sadd.s32 s3, s0  }
0x164: {  	[tilespmem:s19], [sflag:$0x4] =	stream.linear.gather [hbm4b:s0+s2], $0x80, $0x38;
	[tilespmem:$0x10200] =	vst v63  }
0x165: {  	s0 =	sor.u32 s25, s29  }
0x166: {  	v63 =	vld [tilespmem:s0+$0x0];
	_ =	sdelay $0x4  }
0x167: {  	v0 =	vshll.u32 v63, $0x4  }
0x168: {  	(v2sf) =	vpush v0, $0x0;
	_ =	sdelay $0x1  }
0x169: {  	(v2sf) =	vpush v0, $0x1;
	_ =	sdelay $0x3  }
0x16a: {  	(v2sf) =	vpush v0, $0x2;
	_ =	sdelay $0x2  }
0x16b: {  	(v2sf) =	vpush v0, $0x3;
	_ =	sdelay $0x5  }
0x16c: {  	s26 =	spop (v2sf);
	(v2sf) =	vpush v0, $0x4;
	_ =	sdelay $0x1  }
0x16d: {  	s29 =	spop (v2sf);
	(v2sf) =	vpush v0, $0x5;
	_ =	sdelay $0x3  }
0x16e: {  	s4 =	spop (v2sf);
	(v2sf) =	vpush v0, $0x6;
	_ =	sdelay $0x1  }
0x16f: {  	s0 =	sand.u32 $0x1FFFFFF0, s26  }
0x170: {  	s28 =	sadd.s32 $0xFFFFF880, s14;
	s0 =	sadd.s32 s3, s0;
	s6 =	spop (v2sf);
	(v2sf) =	vpush v0, $0x7  }
0x171: {  	[tilespmem:s28], [sflag:$0x1] =	stream.linear.gather [hbm4b:s0+s2], $0x80, $0x38;
	[tilespmem:$0x10200] =	vst v63  }
0x172: {  	s0 =	sand.u32 $0x1FFFFFF0, s29  }
0x173: {  	s30 =	sadd.s32 $0xFFFFF900, s14;
	s0 =	sadd.s32 s3, s0  }
0x174: {  	[tilespmem:s30], [sflag:$0x2] =	stream.linear.gather [hbm4b:s0+s2], $0x80, $0x38;
	[tilespmem:$0x10200] =	vst v63  }
0x175: {  	s0 =	sand.u32 $0x1FFFFFF0, s4  }
0x176: {  	s5 =	sadd.s32 $0xFFFFF980, s14;
	s0 =	sadd.s32 s3, s0;
	s8 =	spop (v2sf);
	(v2sf) =	vpush v0, $0x8  }
0x177: {  	[tilespmem:s5], [sflag:$0x3] =	stream.linear.gather [hbm4b:s0+s2], $0x80, $0x38;
	[tilespmem:$0x10200] =	vst v63  }
0x178: {  	s0 =	sand.u32 $0x1FFFFFF0, s6;
	s10 =	spop (v2sf);
	(v2sf) =	vpush v0, $0x9  }
0x179: {  	s7 =	sadd.s32 $0xFFFFFA00, s14;
	s0 =	sadd.s32 s3, s0  }
0x17a: {  	[tilespmem:s7], [sflag:$0x4] =	stream.linear.gather [hbm4b:s0+s2], $0x80, $0x38;
	[tilespmem:$0x10200] =	vst v63  }
0x17b: {  	s0 =	sand.u32 $0x1FFFFFF0, s8  }
0x17c: {  	s9 =	sadd.s32 $0xFFFFFA80, s14;
	s0 =	sadd.s32 s3, s0;
	s11 =	spop (v2sf)  }
0x17d: {  	(v2sf) =	vpush v0, $0xA;
	[tilespmem:s9], [sflag:$0x1] =	stream.linear.gather [hbm4b:s0+s2], $0x80, $0x38;
	[tilespmem:$0x10200] =	vst v63  }
0x17e: {  	s0 =	sand.u32 $0x1FFFFFF0, s10  }
0x17f: {  	s12 =	spop (v2sf);
	(v2sf) =	vpush v0, $0xB;
	s0 =	sadd.s32 s3, s0;
	s1 =	rddreg [dreg:$0x5]  }
0x180: {  	[tilespmem:s1], [sflag:$0x2] =	stream.linear.gather [hbm4b:s0+s2], $0x80, $0x38;
	[tilespmem:$0x10200] =	vst v63  }
0x181: {  	s0 =	sand.u32 $0x1FFFFFF0, s11  }
0x182: {  	s0 =	sadd.s32 s3, s0;
	s1 =	rddreg [dreg:$0x4]  }
0x183: {  	[tilespmem:s1], [sflag:$0x3] =	stream.linear.gather [hbm4b:s0+s2], $0x80, $0x38;
	[tilespmem:$0x10200] =	vst v63  }
0x184: {  	s0 =	sand.u32 $0x1FFFFFF0, s12  }
0x185: {  	s0 =	sadd.s32 s3, s0;
	s1 =	rddreg [dreg:$0x3];
	s13 =	spop (v2sf);
	(v2sf) =	vpush v0, $0xC  }
0x186: {  	[tilespmem:s1], [sflag:$0x4] =	stream.linear.gather [hbm4b:s0+s2], $0x80, $0x38;
	[tilespmem:$0x10200] =	vst v63  }
0x187: {  	s15 =	spop (v2sf);
	(v2sf) =	vpush v0, $0xD  }
0x188: {  	s0 =	sand.u32 $0x1FFFFFF0, s13  }
0x189: {  	s0 =	sadd.s32 s3, s0  }
0x18a: {  	[tilespmem:s31], [sflag:$0x1] =	stream.linear.gather [hbm4b:s0+s2], $0x80, $0x38;
	[tilespmem:$0x10200] =	vst v63  }
0x18b: {  	s0 =	sand.u32 $0x1FFFFFF0, s15  }
0x18c: {  	s16 =	spop (v2sf);
	(v2sf) =	vpush v0, $0xE;
	s0 =	sadd.s32 s3, s0  }
0x18d: {  	[tilespmem:s24], [sflag:$0x2] =	stream.linear.gather [hbm4b:s0+s2], $0x80, $0x38;
	[tilespmem:$0x10200] =	vst v63  }
0x18e: {  	s17 =	spop (v2sf);
	(v2sf) =	vpush v0, $0xF;
	s0 =	sand.u32 $0x1FFFFFF0, s16  }
0x18f: {  	s0 =	sadd.s32 s3, s0  }
0x190: {  	[tilespmem:s23], [sflag:$0x3] =	stream.linear.gather [hbm4b:s0+s2], $0x80, $0x38;
	[tilespmem:$0x10200] =	vst v63  }
0x191: {  	s0 =	sand.u32 $0x1FFFFFF0, s17  }
0x192: {  	s0 =	sadd.s32 s3, s0  }
0x193: {  	[tilespmem:s22], [sflag:$0x4] =	stream.linear.gather [hbm4b:s0+s2], $0x80, $0x38;
	[tilespmem:$0x10200] =	vst v63  }
0x194: {  	s18 =	spop (v2sf)  }
0x195: {  	s0 =	sand.u32 $0x1FFFFFF0, s18  }
0x196: {  	s19 =	spop (v2sf);
	s0 =	sadd.s32 s3, s0  }
0x197: {  	[tilespmem:s21], [sflag:$0x1] =	stream.linear.gather [hbm4b:s0+s2], $0x80, $0x38;
	[tilespmem:$0x10200] =	vst v63  }
0x198: {  	s0 =	sand.u32 $0x1FFFFFF0, s19  }
0x199: {  	s0 =	sadd.s32 s3, s0  }
0x19a: {  	[tilespmem:s20], [sflag:$0x2] =	stream.linear.gather [hbm4b:s0+s2], $0x80, $0x38;
	[tilespmem:$0x10200] =	vst v63  }
0x19b: {  	s20 =	spop (v2sf)  }
0x19c: {  	s0 =	sand.u32 $0x1FFFFFF0, s20  }
0x19d: {  	s21 =	sadd.s32 $0xFFFFFF80, s14;
	s22 =	spop (v2sf);
	s0 =	sadd.s32 s3, s0  }
0x19e: {  	[tilespmem:s21], [sflag:$0x3] =	stream.linear.gather [hbm4b:s0+s2], $0x80, $0x38;
	[tilespmem:$0x10200] =	vst v63  }
0x19f: {  	s0 =	sand.u32 $0x1FFFFFF0, s22  }
0x1a0: {  	s23 =	simm.s32 $0x1;
	s0 =	sadd.s32 s3, s0  }
0x1a1: {  	[tilespmem:s14], [sflag:$0x4] =	stream.linear.gather [hbm4b:s0+s2], $0x80, $0x38;
	[tilespmem:$0x10200] =	vst v63  }
0x1a2: {  	_ =	swait.ge [sflag:s23], $0x4000  }
0x1a3: {  	[sflag:s23] =	ssyncset.done $0x0  }
0x1a4: {  	s24 =	simm.s32 $0x2;
	[sflag:s23] =	ssyncadd.s32 $0xFFFFC000  }
0x1a5: {  	_ =	swait.ge [sflag:s24], $0x4000  }
0x1a6: {  	[sflag:s24] =	ssyncset.done $0x0  }
0x1a7: {  	s25 =	simm.s32 $0x3;
	[sflag:s24] =	ssyncadd.s32 $0xFFFFC000  }
0x1a8: {  	_ =	swait.ge [sflag:s25], $0x4000  }
0x1a9: {  	[sflag:s25] =	ssyncset.done $0x0  }
0x1aa: {  	s26 =	simm.s32 $0x4;
	[sflag:s25] =	ssyncadd.s32 $0xFFFFC000  }
0x1ab: {  	_ =	swait.ge [sflag:s26], $0x4000  }
0x1ac: {  	s29 =	simm.s32 $0x200;
	[sflag:s26] =	ssyncset.done $0x0  }
0x1ad: {  	s1 =	simm.s32 $0x5;
	s28 =	rddreg [dreg:$0x11];
	[sflag:s26] =	ssyncadd.s32 $0xFFFFC000  }
0x1ae: {  	[hbm4b:s28+s2] =	stream.linear.scatter [tilespmem:s29], [sflag:$0x5], $0x10000, $0x38;
	[tilespmem:$0x10200] =	vst v63  }
0x1af: {  	_ =	swait.ge [sflag:s1], $0x10000  }
0x1b0: {  	s30 =	rddreg [dreg:$0x13]  }
0x1b1: {  	s31 =	rddreg [dreg:$0x12];
	s4 =	sadd.s32 $0x1, s30  }
0x1b2: {  	p0 =	sne.s32 s4, s31  }
.Ltmp1:
0x1b3: {  	_ = 	snop;
	(pc) =	sbr.rel @p0 .LBB2_1-.Ltmp1, $3  }
0x1b4: {  	_ =	sdelay $0x1  }
0x1b5: {  	[sflag:s1] =	ssyncset.done $0x0  }
0x1b6: {  	[sflag:s1] =	ssyncadd.s32 $0xFFFF0000  }
0x1b7: {  	_ =	sfence.sel $0x180000  }
0x1b8: {  	[bflag:$0x0] =	sbarrier.arrive $0xFFFF  }
0x1b9: {  	_ =	strace $0x90000047  }
0x1ba: {  	s0 =	stileid.u32;
	[bflag:$0x2] =	sbarrier.arrive $0xFFFF  }
0x1bb: {  	p0 =	sne.s32 s0, $0x0;
	s0 =	rddreg [dreg:$0x2]  }
0x1bc: {  	s0 =	sadd.s32 @!p0 $0x100000, s0  }
0x1bd: {  	[sflag:s0] =	ssyncadd.tile.s32 @!p0 $0x1;
	_ =	shalt  }
.Lfunc_end2:
_tile_overlayer_lowered:
.L_overlay_start_2:
0x1be: {  	(tag) =	ssettag $0x2  }
0x1bf: {  	s0 =	rddreg [dreg:$0x0];
	s2 =	stileid.u32  }
0x1c0: {  	s1 =	rddreg [dreg:$0x1];
	p0 =	sne.s32 s2, $0x0  }
0x1c1: {  	s3 =	rddreg [dreg:$0x2];
	[bflag:$0x3] =	sbarrier.arrive $0xFFFF;
	s2 =	simm.s32 @!p0 $0x1C05  }
0x1c2: {  	[timem:s3], [sflag:s2] =	dma.local @!p0 [hbm:s0], s1  }
0x1c3: {  	s0 =	simm.s32 @!p0 $0x5  }
0x1c4: {  	_ =	swait.ge @!p0 [sflag:s0], s1  }
0x1c5: {  	s1 =	ssub.s32 @!p0 $0x0, s1;
	[sflag:s0] =	ssyncset.done @!p0 $0x0  }
0x1c6: {  	[sflag:s0] =	ssyncadd.s32 @!p0 s1  }
0x1c7: {  	[bflag:$0x3] =	sbarrier.arrive $0xFFFF  }
0x1c8: {  	_ =	shalt  }

</sc_bundles>
